<compile_context>
chip_gen: v7x
topology: tpu7x:2x2x1
jax: 0.10.2.dev20260603
libtpu: 0.0.44.dev20260713+nightly
codegen_flags: <defaults>
</compile_context>

<pallas_src>
import functools

import jax
import jax.numpy as jnp
from jax import lax
from jax.experimental import pallas as pl
from jax.experimental.pallas import tpu as pltpu
from jax.experimental.pallas import tpu_sc as plsc

_NC = 2
_NS = 16
_NW = _NC * _NS

_CHUNK = 128
_NG = 3
_NSP = 3


@functools.lru_cache(maxsize=None)
def _make_gather(N, V, D):
    per_w = N // _NW
    n = per_w // _CHUNK
    assert per_w % _CHUNK == 0 and n >= 8
    q_iters = (n - 3 - 2) // 3
    tail_lo = 3 + 3 * q_iters

    mesh = plsc.VectorSubcoreMesh(core_axis_name="c", subcore_axis_name="s")

    @functools.partial(
        pl.kernel,
        out_type=jax.ShapeDtypeStruct((N, D), jnp.float32),
        mesh=mesh,
        scratch_types=[
            pltpu.VMEM((per_w,), jnp.int32),
            pltpu.VMEM((_NG, _CHUNK, D), jnp.float32),
            pltpu.VMEM_SHARED((_NS, _NSP, _CHUNK, D), jnp.float32),
            [pltpu.SemaphoreType.DMA] * _NG,
            [pltpu.SemaphoreType.DMA] * _NSP,
            [pltpu.SemaphoreType.DMA] * _NSP,
        ],
    )
    def gather_kernel(ids_hbm, table_hbm, out_hbm, idx_v, rows_v, sp_v,
                      gsems, xsems, hsems):
        wid = lax.axis_index("s") * _NC + lax.axis_index("c")
        sid = lax.axis_index("s")
        base = wid * per_w

        pltpu.sync_copy(ids_hbm.at[pl.ds(base, per_w)], idx_v)

        def gather_issue(g, slot):
            pltpu.async_copy(
                table_hbm.at[idx_v.at[pl.ds(g * _CHUNK, _CHUNK)]],
                rows_v.at[slot],
                gsems[slot],
            )

        def gather_wait(g, slot):
            pltpu.make_async_copy(
                table_hbm.at[idx_v.at[pl.ds(g * _CHUNK, _CHUNK)]],
                rows_v.at[slot],
                gsems[slot],
            ).wait()

        def xstore_issue(g, slot, sslot):
            pltpu.async_copy(rows_v.at[slot], sp_v.at[sid, sslot],
                             xsems[sslot])

        def xstore_wait(g, slot, sslot):
            pltpu.make_async_copy(rows_v.at[slot], sp_v.at[sid, sslot],
                                  xsems[sslot]).wait()

        def hstore_issue(g, sslot):
            pltpu.async_copy(
                sp_v.at[sid, sslot],
                out_hbm.at[pl.ds(base + g * _CHUNK, _CHUNK)],
                hsems[sslot],
            )

        def hstore_wait(g, sslot):
            pltpu.make_async_copy(
                sp_v.at[sid, sslot],
                out_hbm.at[pl.ds(base + g * _CHUNK, _CHUNK)],
                hsems[sslot],
            ).wait()

        gather_issue(0, 0)
        gather_issue(1, 1)
        for i in range(3):
            gather_wait(i, i % _NG)
            xstore_issue(i, i % _NG, i % _NSP)
            if i >= 1:
                xstore_wait(i - 1, (i - 1) % _NG, (i - 1) % _NSP)
                hstore_issue(i - 1, (i - 1) % _NSP)
            gather_issue(i + 2, (i + 2) % _NG)

        def body(q, _):
            for j in range(3):
                i = 3 * q + j
                hstore_wait(i - 3, j % _NSP)
                gather_wait(i, j % _NG)
                xstore_issue(i, j % _NG, j % _NSP)
                xstore_wait(i - 1, (j - 1) % _NG, (j - 1) % _NSP)
                hstore_issue(i - 1, (j - 1) % _NSP)
                gather_issue(i + 2, (j + 2) % _NG)
            return 0

        lax.fori_loop(1, 1 + q_iters, body, 0)

        for i in range(tail_lo, n):
            hstore_wait(i - 3, i % _NSP)
            gather_wait(i, i % _NG)
            xstore_issue(i, i % _NG, i % _NSP)
            xstore_wait(i - 1, (i - 1) % _NG, (i - 1) % _NSP)
            hstore_issue(i - 1, (i - 1) % _NSP)
            if i + 2 < n:
                gather_issue(i + 2, (i + 2) % _NG)
        xstore_wait(n - 1, (n - 1) % _NG, (n - 1) % _NSP)
        hstore_issue(n - 1, (n - 1) % _NSP)
        hstore_wait(n - 3, (n - 3) % _NSP)
        hstore_wait(n - 2, (n - 2) % _NSP)
        hstore_wait(n - 1, (n - 1) % _NSP)

    return gather_kernel


def kernel(input_ids, table):
    B, S = input_ids.shape
    V, D = table.shape
    N = B * S
    ids_t = jnp.transpose(input_ids).reshape(N)
    out_flat = _make_gather(N, V, D)(ids_t, table)
    return out_flat.reshape(S, B, D)

# --- scband reference (transcript-rebuilt; emitter-appended) ---
"""Pipeline reference for scband-torch-embedding-47081431498786 (READ-ONLY COPY).

The authoritative reference and input builder live on the scoring server;
editing this copy changes nothing except your own understanding.
"""

import jax, jax.numpy as jnp
import numpy as np

VOCAB = 100000
EMBED = 128
BATCH = 4096
SEQ = 200

def setup_inputs(seed: int = 0) -> dict:
    key = jax.random.key(seed)
    k1, k2 = jax.random.split(key)
    input_ids = jax.random.randint(k1, (BATCH, SEQ), 0, VOCAB, dtype=jnp.int64 if jax.config.jax_enable_x64 else jnp.int32).astype(jnp.int32)
    table = jax.random.normal(k2, (VOCAB, EMBED), dtype=jnp.float32)
    return {"input_ids": input_ids, "table": table}

def reference(input_ids, table):
    # Equivalent of nn.Embedding(input_ids).permute(1, 0, 2)
    emb = jnp.take(table, input_ids, axis=0)  # [B, S, D]
    return jnp.transpose(emb, (1, 0, 2))      # [S, B, D]

if __name__ == "__main__":
    import jax
    _d = setup_inputs()
    print(jax.jit(kernel)(*tuple(_d.values())))

</pallas_src>

<mosaic_0001>
#map = affine_map<(d0, d1) -> (0)>
#map1 = affine_map<(d0, d1) -> (0, 0)>
module attributes {stable_mosaic.version = 14 : i64} {
  func.func @gather_kernel(%arg0: i32, %arg1: i32, %arg2: memref<819200xi32, #tpu.memory_space<hbm>>, %arg3: memref<100000x128xf32, #tpu.memory_space<hbm>>, %arg4: memref<819200x128xf32, #tpu.memory_space<hbm>>, %arg5: memref<25600xi32, #tpu.memory_space<vmem>>, %arg6: memref<3x128x128xf32, #tpu.memory_space<vmem>>, %arg7: memref<16x3x128x128xf32, #tpu.memory_space<vmem_shared>>, %arg8: memref<!tpu.dma_semaphore, #tpu.memory_space<semaphore_mem>>, %arg9: memref<!tpu.dma_semaphore, #tpu.memory_space<semaphore_mem>>, %arg10: memref<!tpu.dma_semaphore, #tpu.memory_space<semaphore_mem>>, %arg11: memref<!tpu.dma_semaphore, #tpu.memory_space<semaphore_mem>>, %arg12: memref<!tpu.dma_semaphore, #tpu.memory_space<semaphore_mem>>, %arg13: memref<!tpu.dma_semaphore, #tpu.memory_space<semaphore_mem>>, %arg14: memref<!tpu.dma_semaphore, #tpu.memory_space<semaphore_mem>>, %arg15: memref<!tpu.dma_semaphore, #tpu.memory_space<semaphore_mem>>, %arg16: memref<!tpu.dma_semaphore, #tpu.memory_space<semaphore_mem>>) attributes {dimension_semantics = [#tpu.dimension_semantics<core_parallel>, #tpu.dimension_semantics<subcore_parallel>], iteration_bounds = array<i64: 2, 16>, scalar_prefetch = 0 : i64, scratch_operands = 12 : i64, tpu.core_type = #tpu.core_type<sc_vector_subcore>, window_params = [{transform_indices = #map}, {transform_indices = #map1}, {transform_indices = #map1}]} {
    %mul3A = arith.constant 2 : i32
    %mul3A_0 = arith.muli %arg1, %mul3A : i32
    %add3A = arith.addi %mul3A_0, %arg0 : i32
    %mul3A_1 = arith.constant 25600 : i32
    %mul3A_2 = arith.muli %add3A, %mul3A_1 : i32
    "tpu.region"() ({
      %run_scoped3A = tpu.sem_alloc : memref<!tpu.dma_semaphore, #tpu.memory_space<semaphore_mem>>
      %dma_start3A_377 = tpu.memref_slice %arg2[%mul3A_2] : memref<819200xi32, #tpu.memory_space<hbm>> -> memref<25600xi32, #tpu.memory_space<hbm>>
      %dma_start3A_378 = tpu.memref_slice %arg2[%mul3A_2] : memref<819200xi32, #tpu.memory_space<hbm>> -> memref<25600xi32, #tpu.memory_space<hbm>>
      tpu.enqueue_dma source(%dma_start3A_378 : memref<25600xi32, #tpu.memory_space<hbm>>) target(%arg5 : memref<25600xi32, #tpu.memory_space<vmem>>) target_semaphore(%run_scoped3A : memref<!tpu.dma_semaphore, #tpu.memory_space<semaphore_mem>>)
      %dma_wait3A_379 = tpu.memref_slice %arg2[%mul3A_2] : memref<819200xi32, #tpu.memory_space<hbm>> -> memref<25600xi32, #tpu.memory_space<hbm>>
      %dma_wait3A_380 = tpu.memref_slice %arg2[%mul3A_2] : memref<819200xi32, #tpu.memory_space<hbm>> -> memref<25600xi32, #tpu.memory_space<hbm>>
      tpu.wait_dma2 semaphore(%run_scoped3A : memref<!tpu.dma_semaphore, #tpu.memory_space<semaphore_mem>>) src(%dma_wait3A_380 : memref<25600xi32, #tpu.memory_space<hbm>>) dst(%arg5 : memref<25600xi32, #tpu.memory_space<vmem>>)
      tpu.yield
    }) : () -> ()
    %dma_start3A = arith.constant 0 : i32
    %dma_start3A_3 = arith.constant 0 : i32
    %dma_start3A_4 = arith.constant 0 : i32
    %dma_start3A_5 = tpu.memref_slice %arg6[%dma_start3A, %dma_start3A_3, %dma_start3A_4] : memref<3x128x128xf32, #tpu.memory_space<vmem>> -> memref<1x128x128xf32, #tpu.memory_space<vmem>>
    %dma_start3A_6 = tpu.memref_squeeze %dma_start3A_5 : memref<1x128x128xf32, #tpu.memory_space<vmem>> -> memref<128x128xf32, #tpu.memory_space<vmem>>
    %dma_start3A_7 = arith.constant 0 : i32
    %dma_start3A_8 = tpu.memref_slice %arg5[%dma_start3A_7] : memref<25600xi32, #tpu.memory_space<vmem>> -> memref<128xi32, #tpu.memory_space<vmem>>
    %dma_start3A_9 = arith.constant 0 : i32
    %dma_start3A_10 = arith.constant 0 : i32
    %dma_start3A_11 = tpu.memref_slice %arg3[%dma_start3A_9, %dma_start3A_10] : memref<100000x128xf32, #tpu.memory_space<hbm>> -> memref<100000x128xf32, #tpu.memory_space<hbm>>
    tpu.enqueue_indirect_dma source(%dma_start3A_11 : memref<100000x128xf32, #tpu.memory_space<hbm>>) target(%dma_start3A_6 : memref<128x128xf32, #tpu.memory_space<vmem>>) offsets(%dma_start3A_8 : memref<128xi32, #tpu.memory_space<vmem>>) semaphore(%arg8 : memref<!tpu.dma_semaphore, #tpu.memory_space<semaphore_mem>>)
    %dma_start3A_12 = arith.constant 1 : i32
    %dma_start3A_13 = arith.constant 0 : i32
    %dma_start3A_14 = arith.constant 0 : i32
    %dma_start3A_15 = tpu.memref_slice %arg6[%dma_start3A_12, %dma_start3A_13, %dma_start3A_14] : memref<3x128x128xf32, #tpu.memory_space<vmem>> -> memref<1x128x128xf32, #tpu.memory_space<vmem>>
    %dma_start3A_16 = tpu.memref_squeeze %dma_start3A_15 : memref<1x128x128xf32, #tpu.memory_space<vmem>> -> memref<128x128xf32, #tpu.memory_space<vmem>>
    %dma_start3A_17 = arith.constant 128 : i32
    %dma_start3A_18 = tpu.memref_slice %arg5[%dma_start3A_17] : memref<25600xi32, #tpu.memory_space<vmem>> -> memref<128xi32, #tpu.memory_space<vmem>>
    %dma_start3A_19 = arith.constant 0 : i32
    %dma_start3A_20 = arith.constant 0 : i32
    %dma_start3A_21 = tpu.memref_slice %arg3[%dma_start3A_19, %dma_start3A_20] : memref<100000x128xf32, #tpu.memory_space<hbm>> -> memref<100000x128xf32, #tpu.memory_space<hbm>>
    tpu.enqueue_indirect_dma source(%dma_start3A_21 : memref<100000x128xf32, #tpu.memory_space<hbm>>) target(%dma_start3A_16 : memref<128x128xf32, #tpu.memory_space<vmem>>) offsets(%dma_start3A_18 : memref<128xi32, #tpu.memory_space<vmem>>) semaphore(%arg9 : memref<!tpu.dma_semaphore, #tpu.memory_space<semaphore_mem>>)
    %dma_wait3A = arith.constant 0 : i32
    %dma_wait3A_22 = arith.constant 0 : i32
    %dma_wait3A_23 = arith.constant 0 : i32
    %dma_wait3A_24 = tpu.memref_slice %arg6[%dma_wait3A, %dma_wait3A_22, %dma_wait3A_23] : memref<3x128x128xf32, #tpu.memory_space<vmem>> -> memref<1x128x128xf32, #tpu.memory_space<vmem>>
    %dma_wait3A_25 = tpu.memref_squeeze %dma_wait3A_24 : memref<1x128x128xf32, #tpu.memory_space<vmem>> -> memref<128x128xf32, #tpu.memory_space<vmem>>
    %dma_wait3A_26 = arith.constant 0 : i32
    %dma_wait3A_27 = tpu.memref_slice %arg5[%dma_wait3A_26] : memref<25600xi32, #tpu.memory_space<vmem>> -> memref<128xi32, #tpu.memory_space<vmem>>
    %dma_wait3A_28 = arith.constant 0 : i32
    %dma_wait3A_29 = arith.constant 0 : i32
    %dma_wait3A_30 = tpu.memref_slice %arg3[%dma_wait3A_28, %dma_wait3A_29] : memref<100000x128xf32, #tpu.memory_space<hbm>> -> memref<100000x128xf32, #tpu.memory_space<hbm>>
    tpu.wait_indirect_dma semaphore(%arg8 : memref<!tpu.dma_semaphore, #tpu.memory_space<semaphore_mem>>) src(%dma_wait3A_30 : memref<100000x128xf32, #tpu.memory_space<hbm>>) dst(%dma_wait3A_25 : memref<128x128xf32, #tpu.memory_space<vmem>>)
    %dma_start3A_31 = arith.constant 0 : i32
    %dma_start3A_32 = arith.constant 0 : i32
    %dma_start3A_33 = arith.constant 0 : i32
    %dma_start3A_34 = arith.constant 0 : i32
    %dma_start3A_35 = tpu.memref_slice %arg6[%dma_start3A_31, %dma_start3A_33, %dma_start3A_34] : memref<3x128x128xf32, #tpu.memory_space<vmem>> -> memref<1x128x128xf32, #tpu.memory_space<vmem>>
    %dma_start3A_36 = tpu.memref_squeeze %dma_start3A_35 : memref<1x128x128xf32, #tpu.memory_space<vmem>> -> memref<128x128xf32, #tpu.memory_space<vmem>>
    %dma_start3A_37 = arith.constant 0 : i32
    %dma_start3A_38 = arith.constant 0 : i32
    %dma_start3A_39 = tpu.memref_slice %arg7[%arg1, %dma_start3A_32, %dma_start3A_37, %dma_start3A_38] : memref<16x3x128x128xf32, #tpu.memory_space<vmem_shared>> -> memref<1x1x128x128xf32, #tpu.memory_space<vmem_shared>>
    %dma_start3A_40 = tpu.memref_squeeze %dma_start3A_39 : memref<1x1x128x128xf32, #tpu.memory_space<vmem_shared>> -> memref<128x128xf32, #tpu.memory_space<vmem_shared>>
    %dma_start3A_41 = arith.constant 0 : i32
    %dma_start3A_42 = arith.constant 0 : i32
    %dma_start3A_43 = tpu.memref_slice %arg7[%arg1, %dma_start3A_32, %dma_start3A_41, %dma_start3A_42] : memref<16x3x128x128xf32, #tpu.memory_space<vmem_shared>> -> memref<1x1x128x128xf32, #tpu.memory_space<vmem_shared>>
    %dma_start3A_44 = tpu.memref_squeeze %dma_start3A_43 : memref<1x1x128x128xf32, #tpu.memory_space<vmem_shared>> -> memref<128x128xf32, #tpu.memory_space<vmem_shared>>
    %dma_start3A_45 = arith.constant 0 : i32
    %dma_start3A_46 = arith.constant 0 : i32
    %dma_start3A_47 = tpu.memref_slice %arg6[%dma_start3A_31, %dma_start3A_45, %dma_start3A_46] : memref<3x128x128xf32, #tpu.memory_space<vmem>> -> memref<1x128x128xf32, #tpu.memory_space<vmem>>
    %dma_start3A_48 = tpu.memref_squeeze %dma_start3A_47 : memref<1x128x128xf32, #tpu.memory_space<vmem>> -> memref<128x128xf32, #tpu.memory_space<vmem>>
    tpu.enqueue_dma source(%dma_start3A_48 : memref<128x128xf32, #tpu.memory_space<vmem>>) target(%dma_start3A_44 : memref<128x128xf32, #tpu.memory_space<vmem_shared>>) target_semaphore(%arg11 : memref<!tpu.dma_semaphore, #tpu.memory_space<semaphore_mem>>)
    %dma_start3A_49 = arith.constant 2 : i32
    %dma_start3A_50 = arith.constant 0 : i32
    %dma_start3A_51 = arith.constant 0 : i32
    %dma_start3A_52 = tpu.memref_slice %arg6[%dma_start3A_49, %dma_start3A_50, %dma_start3A_51] : memref<3x128x128xf32, #tpu.memory_space<vmem>> -> memref<1x128x128xf32, #tpu.memory_space<vmem>>
    %dma_start3A_53 = tpu.memref_squeeze %dma_start3A_52 : memref<1x128x128xf32, #tpu.memory_space<vmem>> -> memref<128x128xf32, #tpu.memory_space<vmem>>
    %dma_start3A_54 = arith.constant 256 : i32
    %dma_start3A_55 = tpu.memref_slice %arg5[%dma_start3A_54] : memref<25600xi32, #tpu.memory_space<vmem>> -> memref<128xi32, #tpu.memory_space<vmem>>
    %dma_start3A_56 = arith.constant 0 : i32
    %dma_start3A_57 = arith.constant 0 : i32
    %dma_start3A_58 = tpu.memref_slice %arg3[%dma_start3A_56, %dma_start3A_57] : memref<100000x128xf32, #tpu.memory_space<hbm>> -> memref<100000x128xf32, #tpu.memory_space<hbm>>
    tpu.enqueue_indirect_dma source(%dma_start3A_58 : memref<100000x128xf32, #tpu.memory_space<hbm>>) target(%dma_start3A_53 : memref<128x128xf32, #tpu.memory_space<vmem>>) offsets(%dma_start3A_55 : memref<128xi32, #tpu.memory_space<vmem>>) semaphore(%arg10 : memref<!tpu.dma_semaphore, #tpu.memory_space<semaphore_mem>>)
    %dma_wait3A_59 = arith.constant 1 : i32
    %dma_wait3A_60 = arith.constant 0 : i32
    %dma_wait3A_61 = arith.constant 0 : i32
    %dma_wait3A_62 = tpu.memref_slice %arg6[%dma_wait3A_59, %dma_wait3A_60, %dma_wait3A_61] : memref<3x128x128xf32, #tpu.memory_space<vmem>> -> memref<1x128x128xf32, #tpu.memory_space<vmem>>
    %dma_wait3A_63 = tpu.memref_squeeze %dma_wait3A_62 : memref<1x128x128xf32, #tpu.memory_space<vmem>> -> memref<128x128xf32, #tpu.memory_space<vmem>>
    %dma_wait3A_64 = arith.constant 128 : i32
    %dma_wait3A_65 = tpu.memref_slice %arg5[%dma_wait3A_64] : memref<25600xi32, #tpu.memory_space<vmem>> -> memref<128xi32, #tpu.memory_space<vmem>>
    %dma_wait3A_66 = arith.constant 0 : i32
    %dma_wait3A_67 = arith.constant 0 : i32
    %dma_wait3A_68 = tpu.memref_slice %arg3[%dma_wait3A_66, %dma_wait3A_67] : memref<100000x128xf32, #tpu.memory_space<hbm>> -> memref<100000x128xf32, #tpu.memory_space<hbm>>
    tpu.wait_indirect_dma semaphore(%arg9 : memref<!tpu.dma_semaphore, #tpu.memory_space<semaphore_mem>>) src(%dma_wait3A_68 : memref<100000x128xf32, #tpu.memory_space<hbm>>) dst(%dma_wait3A_63 : memref<128x128xf32, #tpu.memory_space<vmem>>)
    %dma_start3A_69 = arith.constant 1 : i32
    %dma_start3A_70 = arith.constant 1 : i32
    %dma_start3A_71 = arith.constant 0 : i32
    %dma_start3A_72 = arith.constant 0 : i32
    %dma_start3A_73 = tpu.memref_slice %arg6[%dma_start3A_69, %dma_start3A_71, %dma_start3A_72] : memref<3x128x128xf32, #tpu.memory_space<vmem>> -> memref<1x128x128xf32, #tpu.memory_space<vmem>>
    %dma_start3A_74 = tpu.memref_squeeze %dma_start3A_73 : memref<1x128x128xf32, #tpu.memory_space<vmem>> -> memref<128x128xf32, #tpu.memory_space<vmem>>
    %dma_start3A_75 = arith.constant 0 : i32
    %dma_start3A_76 = arith.constant 0 : i32
    %dma_start3A_77 = tpu.memref_slice %arg7[%arg1, %dma_start3A_70, %dma_start3A_75, %dma_start3A_76] : memref<16x3x128x128xf32, #tpu.memory_space<vmem_shared>> -> memref<1x1x128x128xf32, #tpu.memory_space<vmem_shared>>
    %dma_start3A_78 = tpu.memref_squeeze %dma_start3A_77 : memref<1x1x128x128xf32, #tpu.memory_space<vmem_shared>> -> memref<128x128xf32, #tpu.memory_space<vmem_shared>>
    %dma_start3A_79 = arith.constant 0 : i32
    %dma_start3A_80 = arith.constant 0 : i32
    %dma_start3A_81 = tpu.memref_slice %arg7[%arg1, %dma_start3A_70, %dma_start3A_79, %dma_start3A_80] : memref<16x3x128x128xf32, #tpu.memory_space<vmem_shared>> -> memref<1x1x128x128xf32, #tpu.memory_space<vmem_shared>>
    %dma_start3A_82 = tpu.memref_squeeze %dma_start3A_81 : memref<1x1x128x128xf32, #tpu.memory_space<vmem_shared>> -> memref<128x128xf32, #tpu.memory_space<vmem_shared>>
    %dma_start3A_83 = arith.constant 0 : i32
    %dma_start3A_84 = arith.constant 0 : i32
    %dma_start3A_85 = tpu.memref_slice %arg6[%dma_start3A_69, %dma_start3A_83, %dma_start3A_84] : memref<3x128x128xf32, #tpu.memory_space<vmem>> -> memref<1x128x128xf32, #tpu.memory_space<vmem>>
    %dma_start3A_86 = tpu.memref_squeeze %dma_start3A_85 : memref<1x128x128xf32, #tpu.memory_space<vmem>> -> memref<128x128xf32, #tpu.memory_space<vmem>>
    tpu.enqueue_dma source(%dma_start3A_86 : memref<128x128xf32, #tpu.memory_space<vmem>>) target(%dma_start3A_82 : memref<128x128xf32, #tpu.memory_space<vmem_shared>>) target_semaphore(%arg12 : memref<!tpu.dma_semaphore, #tpu.memory_space<semaphore_mem>>)
    %dma_wait3A_87 = arith.constant 0 : i32
    %dma_wait3A_88 = arith.constant 0 : i32
    %dma_wait3A_89 = arith.constant 0 : i32
    %dma_wait3A_90 = arith.constant 0 : i32
    %dma_wait3A_91 = tpu.memref_slice %arg6[%dma_wait3A_87, %dma_wait3A_89, %dma_wait3A_90] : memref<3x128x128xf32, #tpu.memory_space<vmem>> -> memref<1x128x128xf32, #tpu.memory_space<vmem>>
    %dma_wait3A_92 = tpu.memref_squeeze %dma_wait3A_91 : memref<1x128x128xf32, #tpu.memory_space<vmem>> -> memref<128x128xf32, #tpu.memory_space<vmem>>
    %dma_wait3A_93 = arith.constant 0 : i32
    %dma_wait3A_94 = arith.constant 0 : i32
    %dma_wait3A_95 = tpu.memref_slice %arg7[%arg1, %dma_wait3A_88, %dma_wait3A_93, %dma_wait3A_94] : memref<16x3x128x128xf32, #tpu.memory_space<vmem_shared>> -> memref<1x1x128x128xf32, #tpu.memory_space<vmem_shared>>
    %dma_wait3A_96 = tpu.memref_squeeze %dma_wait3A_95 : memref<1x1x128x128xf32, #tpu.memory_space<vmem_shared>> -> memref<128x128xf32, #tpu.memory_space<vmem_shared>>
    %dma_wait3A_97 = arith.constant 0 : i32
    %dma_wait3A_98 = arith.constant 0 : i32
    %dma_wait3A_99 = tpu.memref_slice %arg7[%arg1, %dma_wait3A_88, %dma_wait3A_97, %dma_wait3A_98] : memref<16x3x128x128xf32, #tpu.memory_space<vmem_shared>> -> memref<1x1x128x128xf32, #tpu.memory_space<vmem_shared>>
    %dma_wait3A_100 = tpu.memref_squeeze %dma_wait3A_99 : memref<1x1x128x128xf32, #tpu.memory_space<vmem_shared>> -> memref<128x128xf32, #tpu.memory_space<vmem_shared>>
    %dma_wait3A_101 = arith.constant 0 : i32
    %dma_wait3A_102 = arith.constant 0 : i32
    %dma_wait3A_103 = tpu.memref_slice %arg6[%dma_wait3A_87, %dma_wait3A_101, %dma_wait3A_102] : memref<3x128x128xf32, #tpu.memory_space<vmem>> -> memref<1x128x128xf32, #tpu.memory_space<vmem>>
    %dma_wait3A_104 = tpu.memref_squeeze %dma_wait3A_103 : memref<1x128x128xf32, #tpu.memory_space<vmem>> -> memref<128x128xf32, #tpu.memory_space<vmem>>
    tpu.wait_dma2 semaphore(%arg11 : memref<!tpu.dma_semaphore, #tpu.memory_space<semaphore_mem>>) src(%dma_wait3A_104 : memref<128x128xf32, #tpu.memory_space<vmem>>) dst(%dma_wait3A_100 : memref<128x128xf32, #tpu.memory_space<vmem_shared>>)
    %add3A_105 = arith.constant 0 : i32
    %add3A_106 = arith.addi %mul3A_2, %add3A_105 : i32
    %dma_start3A_107 = arith.constant 0 : i32
    %dma_start3A_108 = arith.constant 0 : i32
    %dma_start3A_109 = tpu.memref_slice %arg4[%add3A_106, %dma_start3A_108] : memref<819200x128xf32, #tpu.memory_space<hbm>> -> memref<128x128xf32, #tpu.memory_space<hbm>>
    %dma_start3A_110 = arith.constant 0 : i32
    %dma_start3A_111 = arith.constant 0 : i32
    %dma_start3A_112 = tpu.memref_slice %arg7[%arg1, %dma_start3A_107, %dma_start3A_110, %dma_start3A_111] : memref<16x3x128x128xf32, #tpu.memory_space<vmem_shared>> -> memref<1x1x128x128xf32, #tpu.memory_space<vmem_shared>>
    %dma_start3A_113 = tpu.memref_squeeze %dma_start3A_112 : memref<1x1x128x128xf32, #tpu.memory_space<vmem_shared>> -> memref<128x128xf32, #tpu.memory_space<vmem_shared>>
    tpu.enqueue_dma source(%dma_start3A_113 : memref<128x128xf32, #tpu.memory_space<vmem_shared>>) target(%dma_start3A_109 : memref<128x128xf32, #tpu.memory_space<hbm>>) target_semaphore(%arg14 : memref<!tpu.dma_semaphore, #tpu.memory_space<semaphore_mem>>)
    %dma_start3A_114 = arith.constant 0 : i32
    %dma_start3A_115 = arith.constant 0 : i32
    %dma_start3A_116 = arith.constant 0 : i32
    %dma_start3A_117 = tpu.memref_slice %arg6[%dma_start3A_114, %dma_start3A_115, %dma_start3A_116] : memref<3x128x128xf32, #tpu.memory_space<vmem>> -> memref<1x128x128xf32, #tpu.memory_space<vmem>>
    %dma_start3A_118 = tpu.memref_squeeze %dma_start3A_117 : memref<1x128x128xf32, #tpu.memory_space<vmem>> -> memref<128x128xf32, #tpu.memory_space<vmem>>
    %dma_start3A_119 = arith.constant 384 : i32
    %dma_start3A_120 = tpu.memref_slice %arg5[%dma_start3A_119] : memref<25600xi32, #tpu.memory_space<vmem>> -> memref<128xi32, #tpu.memory_space<vmem>>
    %dma_start3A_121 = arith.constant 0 : i32
    %dma_start3A_122 = arith.constant 0 : i32
    %dma_start3A_123 = tpu.memref_slice %arg3[%dma_start3A_121, %dma_start3A_122] : memref<100000x128xf32, #tpu.memory_space<hbm>> -> memref<100000x128xf32, #tpu.memory_space<hbm>>
    tpu.enqueue_indirect_dma source(%dma_start3A_123 : memref<100000x128xf32, #tpu.memory_space<hbm>>) target(%dma_start3A_118 : memref<128x128xf32, #tpu.memory_space<vmem>>) offsets(%dma_start3A_120 : memref<128xi32, #tpu.memory_space<vmem>>) semaphore(%arg8 : memref<!tpu.dma_semaphore, #tpu.memory_space<semaphore_mem>>)
    %dma_wait3A_124 = arith.constant 2 : i32
    %dma_wait3A_125 = arith.constant 0 : i32
    %dma_wait3A_126 = arith.constant 0 : i32
    %dma_wait3A_127 = tpu.memref_slice %arg6[%dma_wait3A_124, %dma_wait3A_125, %dma_wait3A_126] : memref<3x128x128xf32, #tpu.memory_space<vmem>> -> memref<1x128x128xf32, #tpu.memory_space<vmem>>
    %dma_wait3A_128 = tpu.memref_squeeze %dma_wait3A_127 : memref<1x128x128xf32, #tpu.memory_space<vmem>> -> memref<128x128xf32, #tpu.memory_space<vmem>>
    %dma_wait3A_129 = arith.constant 256 : i32
    %dma_wait3A_130 = tpu.memref_slice %arg5[%dma_wait3A_129] : memref<25600xi32, #tpu.memory_space<vmem>> -> memref<128xi32, #tpu.memory_space<vmem>>
    %dma_wait3A_131 = arith.constant 0 : i32
    %dma_wait3A_132 = arith.constant 0 : i32
    %dma_wait3A_133 = tpu.memref_slice %arg3[%dma_wait3A_131, %dma_wait3A_132] : memref<100000x128xf32, #tpu.memory_space<hbm>> -> memref<100000x128xf32, #tpu.memory_space<hbm>>
    tpu.wait_indirect_dma semaphore(%arg10 : memref<!tpu.dma_semaphore, #tpu.memory_space<semaphore_mem>>) src(%dma_wait3A_133 : memref<100000x128xf32, #tpu.memory_space<hbm>>) dst(%dma_wait3A_128 : memref<128x128xf32, #tpu.memory_space<vmem>>)
    %dma_start3A_134 = arith.constant 2 : i32
    %dma_start3A_135 = arith.constant 2 : i32
    %dma_start3A_136 = arith.constant 0 : i32
    %dma_start3A_137 = arith.constant 0 : i32
    %dma_start3A_138 = tpu.memref_slice %arg6[%dma_start3A_134, %dma_start3A_136, %dma_start3A_137] : memref<3x128x128xf32, #tpu.memory_space<vmem>> -> memref<1x128x128xf32, #tpu.memory_space<vmem>>
    %dma_start3A_139 = tpu.memref_squeeze %dma_start3A_138 : memref<1x128x128xf32, #tpu.memory_space<vmem>> -> memref<128x128xf32, #tpu.memory_space<vmem>>
    %dma_start3A_140 = arith.constant 0 : i32
    %dma_start3A_141 = arith.constant 0 : i32
    %dma_start3A_142 = tpu.memref_slice %arg7[%arg1, %dma_start3A_135, %dma_start3A_140, %dma_start3A_141] : memref<16x3x128x128xf32, #tpu.memory_space<vmem_shared>> -> memref<1x1x128x128xf32, #tpu.memory_space<vmem_shared>>
    %dma_start3A_143 = tpu.memref_squeeze %dma_start3A_142 : memref<1x1x128x128xf32, #tpu.memory_space<vmem_shared>> -> memref<128x128xf32, #tpu.memory_space<vmem_shared>>
    %dma_start3A_144 = arith.constant 0 : i32
    %dma_start3A_145 = arith.constant 0 : i32
    %dma_start3A_146 = tpu.memref_slice %arg7[%arg1, %dma_start3A_135, %dma_start3A_144, %dma_start3A_145] : memref<16x3x128x128xf32, #tpu.memory_space<vmem_shared>> -> memref<1x1x128x128xf32, #tpu.memory_space<vmem_shared>>
    %dma_start3A_147 = tpu.memref_squeeze %dma_start3A_146 : memref<1x1x128x128xf32, #tpu.memory_space<vmem_shared>> -> memref<128x128xf32, #tpu.memory_space<vmem_shared>>
    %dma_start3A_148 = arith.constant 0 : i32
    %dma_start3A_149 = arith.constant 0 : i32
    %dma_start3A_150 = tpu.memref_slice %arg6[%dma_start3A_134, %dma_start3A_148, %dma_start3A_149] : memref<3x128x128xf32, #tpu.memory_space<vmem>> -> memref<1x128x128xf32, #tpu.memory_space<vmem>>
    %dma_start3A_151 = tpu.memref_squeeze %dma_start3A_150 : memref<1x128x128xf32, #tpu.memory_space<vmem>> -> memref<128x128xf32, #tpu.memory_space<vmem>>
    tpu.enqueue_dma source(%dma_start3A_151 : memref<128x128xf32, #tpu.memory_space<vmem>>) target(%dma_start3A_147 : memref<128x128xf32, #tpu.memory_space<vmem_shared>>) target_semaphore(%arg13 : memref<!tpu.dma_semaphore, #tpu.memory_space<semaphore_mem>>)
    %dma_wait3A_152 = arith.constant 1 : i32
    %dma_wait3A_153 = arith.constant 1 : i32
    %dma_wait3A_154 = arith.constant 0 : i32
    %dma_wait3A_155 = arith.constant 0 : i32
    %dma_wait3A_156 = tpu.memref_slice %arg6[%dma_wait3A_152, %dma_wait3A_154, %dma_wait3A_155] : memref<3x128x128xf32, #tpu.memory_space<vmem>> -> memref<1x128x128xf32, #tpu.memory_space<vmem>>
    %dma_wait3A_157 = tpu.memref_squeeze %dma_wait3A_156 : memref<1x128x128xf32, #tpu.memory_space<vmem>> -> memref<128x128xf32, #tpu.memory_space<vmem>>
    %dma_wait3A_158 = arith.constant 0 : i32
    %dma_wait3A_159 = arith.constant 0 : i32
    %dma_wait3A_160 = tpu.memref_slice %arg7[%arg1, %dma_wait3A_153, %dma_wait3A_158, %dma_wait3A_159] : memref<16x3x128x128xf32, #tpu.memory_space<vmem_shared>> -> memref<1x1x128x128xf32, #tpu.memory_space<vmem_shared>>
    %dma_wait3A_161 = tpu.memref_squeeze %dma_wait3A_160 : memref<1x1x128x128xf32, #tpu.memory_space<vmem_shared>> -> memref<128x128xf32, #tpu.memory_space<vmem_shared>>
    %dma_wait3A_162 = arith.constant 0 : i32
    %dma_wait3A_163 = arith.constant 0 : i32
    %dma_wait3A_164 = tpu.memref_slice %arg7[%arg1, %dma_wait3A_153, %dma_wait3A_162, %dma_wait3A_163] : memref<16x3x128x128xf32, #tpu.memory_space<vmem_shared>> -> memref<1x1x128x128xf32, #tpu.memory_space<vmem_shared>>
    %dma_wait3A_165 = tpu.memref_squeeze %dma_wait3A_164 : memref<1x1x128x128xf32, #tpu.memory_space<vmem_shared>> -> memref<128x128xf32, #tpu.memory_space<vmem_shared>>
    %dma_wait3A_166 = arith.constant 0 : i32
    %dma_wait3A_167 = arith.constant 0 : i32
    %dma_wait3A_168 = tpu.memref_slice %arg6[%dma_wait3A_152, %dma_wait3A_166, %dma_wait3A_167] : memref<3x128x128xf32, #tpu.memory_space<vmem>> -> memref<1x128x128xf32, #tpu.memory_space<vmem>>
    %dma_wait3A_169 = tpu.memref_squeeze %dma_wait3A_168 : memref<1x128x128xf32, #tpu.memory_space<vmem>> -> memref<128x128xf32, #tpu.memory_space<vmem>>
    tpu.wait_dma2 semaphore(%arg12 : memref<!tpu.dma_semaphore, #tpu.memory_space<semaphore_mem>>) src(%dma_wait3A_169 : memref<128x128xf32, #tpu.memory_space<vmem>>) dst(%dma_wait3A_165 : memref<128x128xf32, #tpu.memory_space<vmem_shared>>)
    %add3A_170 = arith.constant 128 : i32
    %add3A_171 = arith.addi %mul3A_2, %add3A_170 : i32
    %dma_start3A_172 = arith.constant 1 : i32
    %dma_start3A_173 = arith.constant 0 : i32
    %dma_start3A_174 = tpu.memref_slice %arg4[%add3A_171, %dma_start3A_173] : memref<819200x128xf32, #tpu.memory_space<hbm>> -> memref<128x128xf32, #tpu.memory_space<hbm>>
    %dma_start3A_175 = arith.constant 0 : i32
    %dma_start3A_176 = arith.constant 0 : i32
    %dma_start3A_177 = tpu.memref_slice %arg7[%arg1, %dma_start3A_172, %dma_start3A_175, %dma_start3A_176] : memref<16x3x128x128xf32, #tpu.memory_space<vmem_shared>> -> memref<1x1x128x128xf32, #tpu.memory_space<vmem_shared>>
    %dma_start3A_178 = tpu.memref_squeeze %dma_start3A_177 : memref<1x1x128x128xf32, #tpu.memory_space<vmem_shared>> -> memref<128x128xf32, #tpu.memory_space<vmem_shared>>
    tpu.enqueue_dma source(%dma_start3A_178 : memref<128x128xf32, #tpu.memory_space<vmem_shared>>) target(%dma_start3A_174 : memref<128x128xf32, #tpu.memory_space<hbm>>) target_semaphore(%arg15 : memref<!tpu.dma_semaphore, #tpu.memory_space<semaphore_mem>>)
    %dma_start3A_179 = arith.constant 1 : i32
    %dma_start3A_180 = arith.constant 0 : i32
    %dma_start3A_181 = arith.constant 0 : i32
    %dma_start3A_182 = tpu.memref_slice %arg6[%dma_start3A_179, %dma_start3A_180, %dma_start3A_181] : memref<3x128x128xf32, #tpu.memory_space<vmem>> -> memref<1x128x128xf32, #tpu.memory_space<vmem>>
    %dma_start3A_183 = tpu.memref_squeeze %dma_start3A_182 : memref<1x128x128xf32, #tpu.memory_space<vmem>> -> memref<128x128xf32, #tpu.memory_space<vmem>>
    %dma_start3A_184 = arith.constant 512 : i32
    %dma_start3A_185 = tpu.memref_slice %arg5[%dma_start3A_184] : memref<25600xi32, #tpu.memory_space<vmem>> -> memref<128xi32, #tpu.memory_space<vmem>>
    %dma_start3A_186 = arith.constant 0 : i32
    %dma_start3A_187 = arith.constant 0 : i32
    %dma_start3A_188 = tpu.memref_slice %arg3[%dma_start3A_186, %dma_start3A_187] : memref<100000x128xf32, #tpu.memory_space<hbm>> -> memref<100000x128xf32, #tpu.memory_space<hbm>>
    tpu.enqueue_indirect_dma source(%dma_start3A_188 : memref<100000x128xf32, #tpu.memory_space<hbm>>) target(%dma_start3A_183 : memref<128x128xf32, #tpu.memory_space<vmem>>) offsets(%dma_start3A_185 : memref<128xi32, #tpu.memory_space<vmem>>) semaphore(%arg9 : memref<!tpu.dma_semaphore, #tpu.memory_space<semaphore_mem>>)
    %scan3A = arith.constant 0 : i32
    %scan3A_189 = arith.constant 1 : i32
    %scan3A_190 = arith.constant 65 : i32
    %scan3A_191 = arith.addi %scan3A_189, %scan3A_190 : i32
    %scan3A_192 = arith.constant 1 : i32
    %scan3A_193 = scf.for %scan3A_377 = %scan3A_189 to %scan3A_191 step %scan3A_192 iter_args(%scan3A_378 = %scan3A) -> (i32)  : i32 {
      %mul3A_379 = arith.constant 3 : i32
      %mul3A_380 = arith.muli %mul3A_379, %scan3A_377 : i32
      %add3A_381 = arith.constant 0 : i32
      %add3A_382 = arith.addi %mul3A_380, %add3A_381 : i32
      %sub3A = arith.constant 3 : i32
      %sub3A_383 = arith.subi %add3A_382, %sub3A : i32
      %mul3A_384 = arith.constant 128 : i32
      %mul3A_385 = arith.muli %sub3A_383, %mul3A_384 : i32
      %add3A_386 = arith.addi %mul3A_2, %mul3A_385 : i32
      %dma_wait3A_387 = arith.constant 0 : i32
      %dma_wait3A_388 = arith.constant 0 : i32
      %dma_wait3A_389 = tpu.memref_slice %arg4[%add3A_386, %dma_wait3A_388] : memref<819200x128xf32, #tpu.memory_space<hbm>> -> memref<128x128xf32, #tpu.memory_space<hbm>>
      %dma_wait3A_390 = arith.constant 0 : i32
      %dma_wait3A_391 = arith.constant 0 : i32
      %dma_wait3A_392 = tpu.memref_slice %arg7[%arg1, %dma_wait3A_387, %dma_wait3A_390, %dma_wait3A_391] : memref<16x3x128x128xf32, #tpu.memory_space<vmem_shared>> -> memref<1x1x128x128xf32, #tpu.memory_space<vmem_shared>>
      %dma_wait3A_393 = tpu.memref_squeeze %dma_wait3A_392 : memref<1x1x128x128xf32, #tpu.memory_space<vmem_shared>> -> memref<128x128xf32, #tpu.memory_space<vmem_shared>>
      tpu.wait_dma2 semaphore(%arg14 : memref<!tpu.dma_semaphore, #tpu.memory_space<semaphore_mem>>) src(%dma_wait3A_393 : memref<128x128xf32, #tpu.memory_space<vmem_shared>>) dst(%dma_wait3A_389 : memref<128x128xf32, #tpu.memory_space<hbm>>)
      %mul3A_394 = arith.constant 128 : i32
      %mul3A_395 = arith.muli %add3A_382, %mul3A_394 : i32
      %dma_wait3A_396 = arith.constant 0 : i32
      %dma_wait3A_397 = arith.constant 0 : i32
      %dma_wait3A_398 = arith.constant 0 : i32
      %dma_wait3A_399 = tpu.memref_slice %arg6[%dma_wait3A_396, %dma_wait3A_397, %dma_wait3A_398] : memref<3x128x128xf32, #tpu.memory_space<vmem>> -> memref<1x128x128xf32, #tpu.memory_space<vmem>>
      %dma_wait3A_400 = tpu.memref_squeeze %dma_wait3A_399 : memref<1x128x128xf32, #tpu.memory_space<vmem>> -> memref<128x128xf32, #tpu.memory_space<vmem>>
      %dma_wait3A_401 = tpu.memref_slice %arg5[%mul3A_395] : memref<25600xi32, #tpu.memory_space<vmem>> -> memref<128xi32, #tpu.memory_space<vmem>>
      %dma_wait3A_402 = arith.constant 0 : i32
      %dma_wait3A_403 = arith.constant 0 : i32
      %dma_wait3A_404 = tpu.memref_slice %arg3[%dma_wait3A_402, %dma_wait3A_403] : memref<100000x128xf32, #tpu.memory_space<hbm>> -> memref<100000x128xf32, #tpu.memory_space<hbm>>
      tpu.wait_indirect_dma semaphore(%arg8 : memref<!tpu.dma_semaphore, #tpu.memory_space<semaphore_mem>>) src(%dma_wait3A_404 : memref<100000x128xf32, #tpu.memory_space<hbm>>) dst(%dma_wait3A_400 : memref<128x128xf32, #tpu.memory_space<vmem>>)
      %dma_start3A_405 = arith.constant 0 : i32
      %dma_start3A_406 = arith.constant 0 : i32
      %dma_start3A_407 = arith.constant 0 : i32
      %dma_start3A_408 = arith.constant 0 : i32
      %dma_start3A_409 = tpu.memref_slice %arg6[%dma_start3A_405, %dma_start3A_407, %dma_start3A_408] : memref<3x128x128xf32, #tpu.memory_space<vmem>> -> memref<1x128x128xf32, #tpu.memory_space<vmem>>
      %dma_start3A_410 = tpu.memref_squeeze %dma_start3A_409 : memref<1x128x128xf32, #tpu.memory_space<vmem>> -> memref<128x128xf32, #tpu.memory_space<vmem>>
      %dma_start3A_411 = arith.constant 0 : i32
      %dma_start3A_412 = arith.constant 0 : i32
      %dma_start3A_413 = tpu.memref_slice %arg7[%arg1, %dma_start3A_406, %dma_start3A_411, %dma_start3A_412] : memref<16x3x128x128xf32, #tpu.memory_space<vmem_shared>> -> memref<1x1x128x128xf32, #tpu.memory_space<vmem_shared>>
      %dma_start3A_414 = tpu.memref_squeeze %dma_start3A_413 : memref<1x1x128x128xf32, #tpu.memory_space<vmem_shared>> -> memref<128x128xf32, #tpu.memory_space<vmem_shared>>
      %dma_start3A_415 = arith.constant 0 : i32
      %dma_start3A_416 = arith.constant 0 : i32
      %dma_start3A_417 = tpu.memref_slice %arg7[%arg1, %dma_start3A_406, %dma_start3A_415, %dma_start3A_416] : memref<16x3x128x128xf32, #tpu.memory_space<vmem_shared>> -> memref<1x1x128x128xf32, #tpu.memory_space<vmem_shared>>
      %dma_start3A_418 = tpu.memref_squeeze %dma_start3A_417 : memref<1x1x128x128xf32, #tpu.memory_space<vmem_shared>> -> memref<128x128xf32, #tpu.memory_space<vmem_shared>>
      %dma_start3A_419 = arith.constant 0 : i32
      %dma_start3A_420 = arith.constant 0 : i32
      %dma_start3A_421 = tpu.memref_slice %arg6[%dma_start3A_405, %dma_start3A_419, %dma_start3A_420] : memref<3x128x128xf32, #tpu.memory_space<vmem>> -> memref<1x128x128xf32, #tpu.memory_space<vmem>>
      %dma_start3A_422 = tpu.memref_squeeze %dma_start3A_421 : memref<1x128x128xf32, #tpu.memory_space<vmem>> -> memref<128x128xf32, #tpu.memory_space<vmem>>
      tpu.enqueue_dma source(%dma_start3A_422 : memref<128x128xf32, #tpu.memory_space<vmem>>) target(%dma_start3A_418 : memref<128x128xf32, #tpu.memory_space<vmem_shared>>) target_semaphore(%arg11 : memref<!tpu.dma_semaphore, #tpu.memory_space<semaphore_mem>>)
      %sub3A_423 = arith.constant 1 : i32
      %sub3A_424 = arith.subi %add3A_382, %sub3A_423 : i32
      %dma_wait3A_425 = arith.constant 2 : i32
      %dma_wait3A_426 = arith.constant 2 : i32
      %dma_wait3A_427 = arith.constant 0 : i32
      %dma_wait3A_428 = arith.constant 0 : i32
      %dma_wait3A_429 = tpu.memref_slice %arg6[%dma_wait3A_425, %dma_wait3A_427, %dma_wait3A_428] : memref<3x128x128xf32, #tpu.memory_space<vmem>> -> memref<1x128x128xf32, #tpu.memory_space<vmem>>
      %dma_wait3A_430 = tpu.memref_squeeze %dma_wait3A_429 : memref<1x128x128xf32, #tpu.memory_space<vmem>> -> memref<128x128xf32, #tpu.memory_space<vmem>>
      %dma_wait3A_431 = arith.constant 0 : i32
      %dma_wait3A_432 = arith.constant 0 : i32
      %dma_wait3A_433 = tpu.memref_slice %arg7[%arg1, %dma_wait3A_426, %dma_wait3A_431, %dma_wait3A_432] : memref<16x3x128x128xf32, #tpu.memory_space<vmem_shared>> -> memref<1x1x128x128xf32, #tpu.memory_space<vmem_shared>>
      %dma_wait3A_434 = tpu.memref_squeeze %dma_wait3A_433 : memref<1x1x128x128xf32, #tpu.memory_space<vmem_shared>> -> memref<128x128xf32, #tpu.memory_space<vmem_shared>>
      %dma_wait3A_435 = arith.constant 0 : i32
      %dma_wait3A_436 = arith.constant 0 : i32
      %dma_wait3A_437 = tpu.memref_slice %arg7[%arg1, %dma_wait3A_426, %dma_wait3A_435, %dma_wait3A_436] : memref<16x3x128x128xf32, #tpu.memory_space<vmem_shared>> -> memref<1x1x128x128xf32, #tpu.memory_space<vmem_shared>>
      %dma_wait3A_438 = tpu.memref_squeeze %dma_wait3A_437 : memref<1x1x128x128xf32, #tpu.memory_space<vmem_shared>> -> memref<128x128xf32, #tpu.memory_space<vmem_shared>>
      %dma_wait3A_439 = arith.constant 0 : i32
      %dma_wait3A_440 = arith.constant 0 : i32
      %dma_wait3A_441 = tpu.memref_slice %arg6[%dma_wait3A_425, %dma_wait3A_439, %dma_wait3A_440] : memref<3x128x128xf32, #tpu.memory_space<vmem>> -> memref<1x128x128xf32, #tpu.memory_space<vmem>>
      %dma_wait3A_442 = tpu.memref_squeeze %dma_wait3A_441 : memref<1x128x128xf32, #tpu.memory_space<vmem>> -> memref<128x128xf32, #tpu.memory_space<vmem>>
      tpu.wait_dma2 semaphore(%arg13 : memref<!tpu.dma_semaphore, #tpu.memory_space<semaphore_mem>>) src(%dma_wait3A_442 : memref<128x128xf32, #tpu.memory_space<vmem>>) dst(%dma_wait3A_438 : memref<128x128xf32, #tpu.memory_space<vmem_shared>>)
      %sub3A_443 = arith.constant 1 : i32
      %sub3A_444 = arith.subi %add3A_382, %sub3A_443 : i32
      %mul3A_445 = arith.constant 128 : i32
      %mul3A_446 = arith.muli %sub3A_444, %mul3A_445 : i32
      %add3A_447 = arith.addi %mul3A_2, %mul3A_446 : i32
      %dma_start3A_448 = arith.constant 2 : i32
      %dma_start3A_449 = arith.constant 0 : i32
      %dma_start3A_450 = tpu.memref_slice %arg4[%add3A_447, %dma_start3A_449] : memref<819200x128xf32, #tpu.memory_space<hbm>> -> memref<128x128xf32, #tpu.memory_space<hbm>>
      %dma_start3A_451 = arith.constant 0 : i32
      %dma_start3A_452 = arith.constant 0 : i32
      %dma_start3A_453 = tpu.memref_slice %arg7[%arg1, %dma_start3A_448, %dma_start3A_451, %dma_start3A_452] : memref<16x3x128x128xf32, #tpu.memory_space<vmem_shared>> -> memref<1x1x128x128xf32, #tpu.memory_space<vmem_shared>>
      %dma_start3A_454 = tpu.memref_squeeze %dma_start3A_453 : memref<1x1x128x128xf32, #tpu.memory_space<vmem_shared>> -> memref<128x128xf32, #tpu.memory_space<vmem_shared>>
      tpu.enqueue_dma source(%dma_start3A_454 : memref<128x128xf32, #tpu.memory_space<vmem_shared>>) target(%dma_start3A_450 : memref<128x128xf32, #tpu.memory_space<hbm>>) target_semaphore(%arg16 : memref<!tpu.dma_semaphore, #tpu.memory_space<semaphore_mem>>)
      %add3A_455 = arith.constant 2 : i32
      %add3A_456 = arith.addi %add3A_382, %add3A_455 : i32
      %mul3A_457 = arith.constant 128 : i32
      %mul3A_458 = arith.muli %add3A_456, %mul3A_457 : i32
      %dma_start3A_459 = arith.constant 2 : i32
      %dma_start3A_460 = arith.constant 0 : i32
      %dma_start3A_461 = arith.constant 0 : i32
      %dma_start3A_462 = tpu.memref_slice %arg6[%dma_start3A_459, %dma_start3A_460, %dma_start3A_461] : memref<3x128x128xf32, #tpu.memory_space<vmem>> -> memref<1x128x128xf32, #tpu.memory_space<vmem>>
      %dma_start3A_463 = tpu.memref_squeeze %dma_start3A_462 : memref<1x128x128xf32, #tpu.memory_space<vmem>> -> memref<128x128xf32, #tpu.memory_space<vmem>>
      %dma_start3A_464 = tpu.memref_slice %arg5[%mul3A_458] : memref<25600xi32, #tpu.memory_space<vmem>> -> memref<128xi32, #tpu.memory_space<vmem>>
      %dma_start3A_465 = arith.constant 0 : i32
      %dma_start3A_466 = arith.constant 0 : i32
      %dma_start3A_467 = tpu.memref_slice %arg3[%dma_start3A_465, %dma_start3A_466] : memref<100000x128xf32, #tpu.memory_space<hbm>> -> memref<100000x128xf32, #tpu.memory_space<hbm>>
      tpu.enqueue_indirect_dma source(%dma_start3A_467 : memref<100000x128xf32, #tpu.memory_space<hbm>>) target(%dma_start3A_463 : memref<128x128xf32, #tpu.memory_space<vmem>>) offsets(%dma_start3A_464 : memref<128xi32, #tpu.memory_space<vmem>>) semaphore(%arg10 : memref<!tpu.dma_semaphore, #tpu.memory_space<semaphore_mem>>)
      %mul3A_468 = arith.constant 3 : i32
      %mul3A_469 = arith.muli %mul3A_468, %scan3A_377 : i32
      %add3A_470 = arith.constant 1 : i32
      %add3A_471 = arith.addi %mul3A_469, %add3A_470 : i32
      %sub3A_472 = arith.constant 3 : i32
      %sub3A_473 = arith.subi %add3A_471, %sub3A_472 : i32
      %mul3A_474 = arith.constant 128 : i32
      %mul3A_475 = arith.muli %sub3A_473, %mul3A_474 : i32
      %add3A_476 = arith.addi %mul3A_2, %mul3A_475 : i32
      %dma_wait3A_477 = arith.constant 1 : i32
      %dma_wait3A_478 = arith.constant 0 : i32
      %dma_wait3A_479 = tpu.memref_slice %arg4[%add3A_476, %dma_wait3A_478] : memref<819200x128xf32, #tpu.memory_space<hbm>> -> memref<128x128xf32, #tpu.memory_space<hbm>>
      %dma_wait3A_480 = arith.constant 0 : i32
      %dma_wait3A_481 = arith.constant 0 : i32
      %dma_wait3A_482 = tpu.memref_slice %arg7[%arg1, %dma_wait3A_477, %dma_wait3A_480, %dma_wait3A_481] : memref<16x3x128x128xf32, #tpu.memory_space<vmem_shared>> -> memref<1x1x128x128xf32, #tpu.memory_space<vmem_shared>>
      %dma_wait3A_483 = tpu.memref_squeeze %dma_wait3A_482 : memref<1x1x128x128xf32, #tpu.memory_space<vmem_shared>> -> memref<128x128xf32, #tpu.memory_space<vmem_shared>>
      tpu.wait_dma2 semaphore(%arg15 : memref<!tpu.dma_semaphore, #tpu.memory_space<semaphore_mem>>) src(%dma_wait3A_483 : memref<128x128xf32, #tpu.memory_space<vmem_shared>>) dst(%dma_wait3A_479 : memref<128x128xf32, #tpu.memory_space<hbm>>)
      %mul3A_484 = arith.constant 128 : i32
      %mul3A_485 = arith.muli %add3A_471, %mul3A_484 : i32
      %dma_wait3A_486 = arith.constant 1 : i32
      %dma_wait3A_487 = arith.constant 0 : i32
      %dma_wait3A_488 = arith.constant 0 : i32
      %dma_wait3A_489 = tpu.memref_slice %arg6[%dma_wait3A_486, %dma_wait3A_487, %dma_wait3A_488] : memref<3x128x128xf32, #tpu.memory_space<vmem>> -> memref<1x128x128xf32, #tpu.memory_space<vmem>>
      %dma_wait3A_490 = tpu.memref_squeeze %dma_wait3A_489 : memref<1x128x128xf32, #tpu.memory_space<vmem>> -> memref<128x128xf32, #tpu.memory_space<vmem>>
      %dma_wait3A_491 = tpu.memref_slice %arg5[%mul3A_485] : memref<25600xi32, #tpu.memory_space<vmem>> -> memref<128xi32, #tpu.memory_space<vmem>>
      %dma_wait3A_492 = arith.constant 0 : i32
      %dma_wait3A_493 = arith.constant 0 : i32
      %dma_wait3A_494 = tpu.memref_slice %arg3[%dma_wait3A_492, %dma_wait3A_493] : memref<100000x128xf32, #tpu.memory_space<hbm>> -> memref<100000x128xf32, #tpu.memory_space<hbm>>
      tpu.wait_indirect_dma semaphore(%arg9 : memref<!tpu.dma_semaphore, #tpu.memory_space<semaphore_mem>>) src(%dma_wait3A_494 : memref<100000x128xf32, #tpu.memory_space<hbm>>) dst(%dma_wait3A_490 : memref<128x128xf32, #tpu.memory_space<vmem>>)
      %dma_start3A_495 = arith.constant 1 : i32
      %dma_start3A_496 = arith.constant 1 : i32
      %dma_start3A_497 = arith.constant 0 : i32
      %dma_start3A_498 = arith.constant 0 : i32
      %dma_start3A_499 = tpu.memref_slice %arg6[%dma_start3A_495, %dma_start3A_497, %dma_start3A_498] : memref<3x128x128xf32, #tpu.memory_space<vmem>> -> memref<1x128x128xf32, #tpu.memory_space<vmem>>
      %dma_start3A_500 = tpu.memref_squeeze %dma_start3A_499 : memref<1x128x128xf32, #tpu.memory_space<vmem>> -> memref<128x128xf32, #tpu.memory_space<vmem>>
      %dma_start3A_501 = arith.constant 0 : i32
      %dma_start3A_502 = arith.constant 0 : i32
      %dma_start3A_503 = tpu.memref_slice %arg7[%arg1, %dma_start3A_496, %dma_start3A_501, %dma_start3A_502] : memref<16x3x128x128xf32, #tpu.memory_space<vmem_shared>> -> memref<1x1x128x128xf32, #tpu.memory_space<vmem_shared>>
      %dma_start3A_504 = tpu.memref_squeeze %dma_start3A_503 : memref<1x1x128x128xf32, #tpu.memory_space<vmem_shared>> -> memref<128x128xf32, #tpu.memory_space<vmem_shared>>
      %dma_start3A_505 = arith.constant 0 : i32
      %dma_start3A_506 = arith.constant 0 : i32
      %dma_start3A_507 = tpu.memref_slice %arg7[%arg1, %dma_start3A_496, %dma_start3A_505, %dma_start3A_506] : memref<16x3x128x128xf32, #tpu.memory_space<vmem_shared>> -> memref<1x1x128x128xf32, #tpu.memory_space<vmem_shared>>
      %dma_start3A_508 = tpu.memref_squeeze %dma_start3A_507 : memref<1x1x128x128xf32, #tpu.memory_space<vmem_shared>> -> memref<128x128xf32, #tpu.memory_space<vmem_shared>>
      %dma_start3A_509 = arith.constant 0 : i32
      %dma_start3A_510 = arith.constant 0 : i32
      %dma_start3A_511 = tpu.memref_slice %arg6[%dma_start3A_495, %dma_start3A_509, %dma_start3A_510] : memref<3x128x128xf32, #tpu.memory_space<vmem>> -> memref<1x128x128xf32, #tpu.memory_space<vmem>>
      %dma_start3A_512 = tpu.memref_squeeze %dma_start3A_511 : memref<1x128x128xf32, #tpu.memory_space<vmem>> -> memref<128x128xf32, #tpu.memory_space<vmem>>
      tpu.enqueue_dma source(%dma_start3A_512 : memref<128x128xf32, #tpu.memory_space<vmem>>) target(%dma_start3A_508 : memref<128x128xf32, #tpu.memory_space<vmem_shared>>) target_semaphore(%arg12 : memref<!tpu.dma_semaphore, #tpu.memory_space<semaphore_mem>>)
      %sub3A_513 = arith.constant 1 : i32
      %sub3A_514 = arith.subi %add3A_471, %sub3A_513 : i32
      %dma_wait3A_515 = arith.constant 0 : i32
      %dma_wait3A_516 = arith.constant 0 : i32
      %dma_wait3A_517 = arith.constant 0 : i32
      %dma_wait3A_518 = arith.constant 0 : i32
      %dma_wait3A_519 = tpu.memref_slice %arg6[%dma_wait3A_515, %dma_wait3A_517, %dma_wait3A_518] : memref<3x128x128xf32, #tpu.memory_space<vmem>> -> memref<1x128x128xf32, #tpu.memory_space<vmem>>
      %dma_wait3A_520 = tpu.memref_squeeze %dma_wait3A_519 : memref<1x128x128xf32, #tpu.memory_space<vmem>> -> memref<128x128xf32, #tpu.memory_space<vmem>>
      %dma_wait3A_521 = arith.constant 0 : i32
      %dma_wait3A_522 = arith.constant 0 : i32
      %dma_wait3A_523 = tpu.memref_slice %arg7[%arg1, %dma_wait3A_516, %dma_wait3A_521, %dma_wait3A_522] : memref<16x3x128x128xf32, #tpu.memory_space<vmem_shared>> -> memref<1x1x128x128xf32, #tpu.memory_space<vmem_shared>>
      %dma_wait3A_524 = tpu.memref_squeeze %dma_wait3A_523 : memref<1x1x128x128xf32, #tpu.memory_space<vmem_shared>> -> memref<128x128xf32, #tpu.memory_space<vmem_shared>>
      %dma_wait3A_525 = arith.constant 0 : i32
      %dma_wait3A_526 = arith.constant 0 : i32
      %dma_wait3A_527 = tpu.memref_slice %arg7[%arg1, %dma_wait3A_516, %dma_wait3A_525, %dma_wait3A_526] : memref<16x3x128x128xf32, #tpu.memory_space<vmem_shared>> -> memref<1x1x128x128xf32, #tpu.memory_space<vmem_shared>>
      %dma_wait3A_528 = tpu.memref_squeeze %dma_wait3A_527 : memref<1x1x128x128xf32, #tpu.memory_space<vmem_shared>> -> memref<128x128xf32, #tpu.memory_space<vmem_shared>>
      %dma_wait3A_529 = arith.constant 0 : i32
      %dma_wait3A_530 = arith.constant 0 : i32
      %dma_wait3A_531 = tpu.memref_slice %arg6[%dma_wait3A_515, %dma_wait3A_529, %dma_wait3A_530] : memref<3x128x128xf32, #tpu.memory_space<vmem>> -> memref<1x128x128xf32, #tpu.memory_space<vmem>>
      %dma_wait3A_532 = tpu.memref_squeeze %dma_wait3A_531 : memref<1x128x128xf32, #tpu.memory_space<vmem>> -> memref<128x128xf32, #tpu.memory_space<vmem>>
      tpu.wait_dma2 semaphore(%arg11 : memref<!tpu.dma_semaphore, #tpu.memory_space<semaphore_mem>>) src(%dma_wait3A_532 : memref<128x128xf32, #tpu.memory_space<vmem>>) dst(%dma_wait3A_528 : memref<128x128xf32, #tpu.memory_space<vmem_shared>>)
      %sub3A_533 = arith.constant 1 : i32
      %sub3A_534 = arith.subi %add3A_471, %sub3A_533 : i32
      %mul3A_535 = arith.constant 128 : i32
      %mul3A_536 = arith.muli %sub3A_534, %mul3A_535 : i32
      %add3A_537 = arith.addi %mul3A_2, %mul3A_536 : i32
      %dma_start3A_538 = arith.constant 0 : i32
      %dma_start3A_539 = arith.constant 0 : i32
      %dma_start3A_540 = tpu.memref_slice %arg4[%add3A_537, %dma_start3A_539] : memref<819200x128xf32, #tpu.memory_space<hbm>> -> memref<128x128xf32, #tpu.memory_space<hbm>>
      %dma_start3A_541 = arith.constant 0 : i32
      %dma_start3A_542 = arith.constant 0 : i32
      %dma_start3A_543 = tpu.memref_slice %arg7[%arg1, %dma_start3A_538, %dma_start3A_541, %dma_start3A_542] : memref<16x3x128x128xf32, #tpu.memory_space<vmem_shared>> -> memref<1x1x128x128xf32, #tpu.memory_space<vmem_shared>>
      %dma_start3A_544 = tpu.memref_squeeze %dma_start3A_543 : memref<1x1x128x128xf32, #tpu.memory_space<vmem_shared>> -> memref<128x128xf32, #tpu.memory_space<vmem_shared>>
      tpu.enqueue_dma source(%dma_start3A_544 : memref<128x128xf32, #tpu.memory_space<vmem_shared>>) target(%dma_start3A_540 : memref<128x128xf32, #tpu.memory_space<hbm>>) target_semaphore(%arg14 : memref<!tpu.dma_semaphore, #tpu.memory_space<semaphore_mem>>)
      %add3A_545 = arith.constant 2 : i32
      %add3A_546 = arith.addi %add3A_471, %add3A_545 : i32
      %mul3A_547 = arith.constant 128 : i32
      %mul3A_548 = arith.muli %add3A_546, %mul3A_547 : i32
      %dma_start3A_549 = arith.constant 0 : i32
      %dma_start3A_550 = arith.constant 0 : i32
      %dma_start3A_551 = arith.constant 0 : i32
      %dma_start3A_552 = tpu.memref_slice %arg6[%dma_start3A_549, %dma_start3A_550, %dma_start3A_551] : memref<3x128x128xf32, #tpu.memory_space<vmem>> -> memref<1x128x128xf32, #tpu.memory_space<vmem>>
      %dma_start3A_553 = tpu.memref_squeeze %dma_start3A_552 : memref<1x128x128xf32, #tpu.memory_space<vmem>> -> memref<128x128xf32, #tpu.memory_space<vmem>>
      %dma_start3A_554 = tpu.memref_slice %arg5[%mul3A_548] : memref<25600xi32, #tpu.memory_space<vmem>> -> memref<128xi32, #tpu.memory_space<vmem>>
      %dma_start3A_555 = arith.constant 0 : i32
      %dma_start3A_556 = arith.constant 0 : i32
      %dma_start3A_557 = tpu.memref_slice %arg3[%dma_start3A_555, %dma_start3A_556] : memref<100000x128xf32, #tpu.memory_space<hbm>> -> memref<100000x128xf32, #tpu.memory_space<hbm>>
      tpu.enqueue_indirect_dma source(%dma_start3A_557 : memref<100000x128xf32, #tpu.memory_space<hbm>>) target(%dma_start3A_553 : memref<128x128xf32, #tpu.memory_space<vmem>>) offsets(%dma_start3A_554 : memref<128xi32, #tpu.memory_space<vmem>>) semaphore(%arg8 : memref<!tpu.dma_semaphore, #tpu.memory_space<semaphore_mem>>)
      %mul3A_558 = arith.constant 3 : i32
      %mul3A_559 = arith.muli %mul3A_558, %scan3A_377 : i32
      %add3A_560 = arith.constant 2 : i32
      %add3A_561 = arith.addi %mul3A_559, %add3A_560 : i32
      %sub3A_562 = arith.constant 3 : i32
      %sub3A_563 = arith.subi %add3A_561, %sub3A_562 : i32
      %mul3A_564 = arith.constant 128 : i32
      %mul3A_565 = arith.muli %sub3A_563, %mul3A_564 : i32
      %add3A_566 = arith.addi %mul3A_2, %mul3A_565 : i32
      %dma_wait3A_567 = arith.constant 2 : i32
      %dma_wait3A_568 = arith.constant 0 : i32
      %dma_wait3A_569 = tpu.memref_slice %arg4[%add3A_566, %dma_wait3A_568] : memref<819200x128xf32, #tpu.memory_space<hbm>> -> memref<128x128xf32, #tpu.memory_space<hbm>>
      %dma_wait3A_570 = arith.constant 0 : i32
      %dma_wait3A_571 = arith.constant 0 : i32
      %dma_wait3A_572 = tpu.memref_slice %arg7[%arg1, %dma_wait3A_567, %dma_wait3A_570, %dma_wait3A_571] : memref<16x3x128x128xf32, #tpu.memory_space<vmem_shared>> -> memref<1x1x128x128xf32, #tpu.memory_space<vmem_shared>>
      %dma_wait3A_573 = tpu.memref_squeeze %dma_wait3A_572 : memref<1x1x128x128xf32, #tpu.memory_space<vmem_shared>> -> memref<128x128xf32, #tpu.memory_space<vmem_shared>>
      tpu.wait_dma2 semaphore(%arg16 : memref<!tpu.dma_semaphore, #tpu.memory_space<semaphore_mem>>) src(%dma_wait3A_573 : memref<128x128xf32, #tpu.memory_space<vmem_shared>>) dst(%dma_wait3A_569 : memref<128x128xf32, #tpu.memory_space<hbm>>)
      %mul3A_574 = arith.constant 128 : i32
      %mul3A_575 = arith.muli %add3A_561, %mul3A_574 : i32
      %dma_wait3A_576 = arith.constant 2 : i32
      %dma_wait3A_577 = arith.constant 0 : i32
      %dma_wait3A_578 = arith.constant 0 : i32
      %dma_wait3A_579 = tpu.memref_slice %arg6[%dma_wait3A_576, %dma_wait3A_577, %dma_wait3A_578] : memref<3x128x128xf32, #tpu.memory_space<vmem>> -> memref<1x128x128xf32, #tpu.memory_space<vmem>>
      %dma_wait3A_580 = tpu.memref_squeeze %dma_wait3A_579 : memref<1x128x128xf32, #tpu.memory_space<vmem>> -> memref<128x128xf32, #tpu.memory_space<vmem>>
      %dma_wait3A_581 = tpu.memref_slice %arg5[%mul3A_575] : memref<25600xi32, #tpu.memory_space<vmem>> -> memref<128xi32, #tpu.memory_space<vmem>>
      %dma_wait3A_582 = arith.constant 0 : i32
      %dma_wait3A_583 = arith.constant 0 : i32
      %dma_wait3A_584 = tpu.memref_slice %arg3[%dma_wait3A_582, %dma_wait3A_583] : memref<100000x128xf32, #tpu.memory_space<hbm>> -> memref<100000x128xf32, #tpu.memory_space<hbm>>
      tpu.wait_indirect_dma semaphore(%arg10 : memref<!tpu.dma_semaphore, #tpu.memory_space<semaphore_mem>>) src(%dma_wait3A_584 : memref<100000x128xf32, #tpu.memory_space<hbm>>) dst(%dma_wait3A_580 : memref<128x128xf32, #tpu.memory_space<vmem>>)
      %dma_start3A_585 = arith.constant 2 : i32
      %dma_start3A_586 = arith.constant 2 : i32
      %dma_start3A_587 = arith.constant 0 : i32
      %dma_start3A_588 = arith.constant 0 : i32
      %dma_start3A_589 = tpu.memref_slice %arg6[%dma_start3A_585, %dma_start3A_587, %dma_start3A_588] : memref<3x128x128xf32, #tpu.memory_space<vmem>> -> memref<1x128x128xf32, #tpu.memory_space<vmem>>
      %dma_start3A_590 = tpu.memref_squeeze %dma_start3A_589 : memref<1x128x128xf32, #tpu.memory_space<vmem>> -> memref<128x128xf32, #tpu.memory_space<vmem>>
      %dma_start3A_591 = arith.constant 0 : i32
      %dma_start3A_592 = arith.constant 0 : i32
      %dma_start3A_593 = tpu.memref_slice %arg7[%arg1, %dma_start3A_586, %dma_start3A_591, %dma_start3A_592] : memref<16x3x128x128xf32, #tpu.memory_space<vmem_shared>> -> memref<1x1x128x128xf32, #tpu.memory_space<vmem_shared>>
      %dma_start3A_594 = tpu.memref_squeeze %dma_start3A_593 : memref<1x1x128x128xf32, #tpu.memory_space<vmem_shared>> -> memref<128x128xf32, #tpu.memory_space<vmem_shared>>
      %dma_start3A_595 = arith.constant 0 : i32
      %dma_start3A_596 = arith.constant 0 : i32
      %dma_start3A_597 = tpu.memref_slice %arg7[%arg1, %dma_start3A_586, %dma_start3A_595, %dma_start3A_596] : memref<16x3x128x128xf32, #tpu.memory_space<vmem_shared>> -> memref<1x1x128x128xf32, #tpu.memory_space<vmem_shared>>
      %dma_start3A_598 = tpu.memref_squeeze %dma_start3A_597 : memref<1x1x128x128xf32, #tpu.memory_space<vmem_shared>> -> memref<128x128xf32, #tpu.memory_space<vmem_shared>>
      %dma_start3A_599 = arith.constant 0 : i32
      %dma_start3A_600 = arith.constant 0 : i32
      %dma_start3A_601 = tpu.memref_slice %arg6[%dma_start3A_585, %dma_start3A_599, %dma_start3A_600] : memref<3x128x128xf32, #tpu.memory_space<vmem>> -> memref<1x128x128xf32, #tpu.memory_space<vmem>>
      %dma_start3A_602 = tpu.memref_squeeze %dma_start3A_601 : memref<1x128x128xf32, #tpu.memory_space<vmem>> -> memref<128x128xf32, #tpu.memory_space<vmem>>
      tpu.enqueue_dma source(%dma_start3A_602 : memref<128x128xf32, #tpu.memory_space<vmem>>) target(%dma_start3A_598 : memref<128x128xf32, #tpu.memory_space<vmem_shared>>) target_semaphore(%arg13 : memref<!tpu.dma_semaphore, #tpu.memory_space<semaphore_mem>>)
      %sub3A_603 = arith.constant 1 : i32
      %sub3A_604 = arith.subi %add3A_561, %sub3A_603 : i32
      %dma_wait3A_605 = arith.constant 1 : i32
      %dma_wait3A_606 = arith.constant 1 : i32
      %dma_wait3A_607 = arith.constant 0 : i32
      %dma_wait3A_608 = arith.constant 0 : i32
      %dma_wait3A_609 = tpu.memref_slice %arg6[%dma_wait3A_605, %dma_wait3A_607, %dma_wait3A_608] : memref<3x128x128xf32, #tpu.memory_space<vmem>> -> memref<1x128x128xf32, #tpu.memory_space<vmem>>
      %dma_wait3A_610 = tpu.memref_squeeze %dma_wait3A_609 : memref<1x128x128xf32, #tpu.memory_space<vmem>> -> memref<128x128xf32, #tpu.memory_space<vmem>>
      %dma_wait3A_611 = arith.constant 0 : i32
      %dma_wait3A_612 = arith.constant 0 : i32
      %dma_wait3A_613 = tpu.memref_slice %arg7[%arg1, %dma_wait3A_606, %dma_wait3A_611, %dma_wait3A_612] : memref<16x3x128x128xf32, #tpu.memory_space<vmem_shared>> -> memref<1x1x128x128xf32, #tpu.memory_space<vmem_shared>>
      %dma_wait3A_614 = tpu.memref_squeeze %dma_wait3A_613 : memref<1x1x128x128xf32, #tpu.memory_space<vmem_shared>> -> memref<128x128xf32, #tpu.memory_space<vmem_shared>>
      %dma_wait3A_615 = arith.constant 0 : i32
      %dma_wait3A_616 = arith.constant 0 : i32
      %dma_wait3A_617 = tpu.memref_slice %arg7[%arg1, %dma_wait3A_606, %dma_wait3A_615, %dma_wait3A_616] : memref<16x3x128x128xf32, #tpu.memory_space<vmem_shared>> -> memref<1x1x128x128xf32, #tpu.memory_space<vmem_shared>>
      %dma_wait3A_618 = tpu.memref_squeeze %dma_wait3A_617 : memref<1x1x128x128xf32, #tpu.memory_space<vmem_shared>> -> memref<128x128xf32, #tpu.memory_space<vmem_shared>>
      %dma_wait3A_619 = arith.constant 0 : i32
      %dma_wait3A_620 = arith.constant 0 : i32
      %dma_wait3A_621 = tpu.memref_slice %arg6[%dma_wait3A_605, %dma_wait3A_619, %dma_wait3A_620] : memref<3x128x128xf32, #tpu.memory_space<vmem>> -> memref<1x128x128xf32, #tpu.memory_space<vmem>>
      %dma_wait3A_622 = tpu.memref_squeeze %dma_wait3A_621 : memref<1x128x128xf32, #tpu.memory_space<vmem>> -> memref<128x128xf32, #tpu.memory_space<vmem>>
      tpu.wait_dma2 semaphore(%arg12 : memref<!tpu.dma_semaphore, #tpu.memory_space<semaphore_mem>>) src(%dma_wait3A_622 : memref<128x128xf32, #tpu.memory_space<vmem>>) dst(%dma_wait3A_618 : memref<128x128xf32, #tpu.memory_space<vmem_shared>>)
      %sub3A_623 = arith.constant 1 : i32
      %sub3A_624 = arith.subi %add3A_561, %sub3A_623 : i32
      %mul3A_625 = arith.constant 128 : i32
      %mul3A_626 = arith.muli %sub3A_624, %mul3A_625 : i32
      %add3A_627 = arith.addi %mul3A_2, %mul3A_626 : i32
      %dma_start3A_628 = arith.constant 1 : i32
      %dma_start3A_629 = arith.constant 0 : i32
      %dma_start3A_630 = tpu.memref_slice %arg4[%add3A_627, %dma_start3A_629] : memref<819200x128xf32, #tpu.memory_space<hbm>> -> memref<128x128xf32, #tpu.memory_space<hbm>>
      %dma_start3A_631 = arith.constant 0 : i32
      %dma_start3A_632 = arith.constant 0 : i32
      %dma_start3A_633 = tpu.memref_slice %arg7[%arg1, %dma_start3A_628, %dma_start3A_631, %dma_start3A_632] : memref<16x3x128x128xf32, #tpu.memory_space<vmem_shared>> -> memref<1x1x128x128xf32, #tpu.memory_space<vmem_shared>>
      %dma_start3A_634 = tpu.memref_squeeze %dma_start3A_633 : memref<1x1x128x128xf32, #tpu.memory_space<vmem_shared>> -> memref<128x128xf32, #tpu.memory_space<vmem_shared>>
      tpu.enqueue_dma source(%dma_start3A_634 : memref<128x128xf32, #tpu.memory_space<vmem_shared>>) target(%dma_start3A_630 : memref<128x128xf32, #tpu.memory_space<hbm>>) target_semaphore(%arg15 : memref<!tpu.dma_semaphore, #tpu.memory_space<semaphore_mem>>)
      %add3A_635 = arith.constant 2 : i32
      %add3A_636 = arith.addi %add3A_561, %add3A_635 : i32
      %mul3A_637 = arith.constant 128 : i32
      %mul3A_638 = arith.muli %add3A_636, %mul3A_637 : i32
      %dma_start3A_639 = arith.constant 1 : i32
      %dma_start3A_640 = arith.constant 0 : i32
      %dma_start3A_641 = arith.constant 0 : i32
      %dma_start3A_642 = tpu.memref_slice %arg6[%dma_start3A_639, %dma_start3A_640, %dma_start3A_641] : memref<3x128x128xf32, #tpu.memory_space<vmem>> -> memref<1x128x128xf32, #tpu.memory_space<vmem>>
      %dma_start3A_643 = tpu.memref_squeeze %dma_start3A_642 : memref<1x128x128xf32, #tpu.memory_space<vmem>> -> memref<128x128xf32, #tpu.memory_space<vmem>>
      %dma_start3A_644 = tpu.memref_slice %arg5[%mul3A_638] : memref<25600xi32, #tpu.memory_space<vmem>> -> memref<128xi32, #tpu.memory_space<vmem>>
      %dma_start3A_645 = arith.constant 0 : i32
      %dma_start3A_646 = arith.constant 0 : i32
      %dma_start3A_647 = tpu.memref_slice %arg3[%dma_start3A_645, %dma_start3A_646] : memref<100000x128xf32, #tpu.memory_space<hbm>> -> memref<100000x128xf32, #tpu.memory_space<hbm>>
      tpu.enqueue_indirect_dma source(%dma_start3A_647 : memref<100000x128xf32, #tpu.memory_space<hbm>>) target(%dma_start3A_643 : memref<128x128xf32, #tpu.memory_space<vmem>>) offsets(%dma_start3A_644 : memref<128xi32, #tpu.memory_space<vmem>>) semaphore(%arg9 : memref<!tpu.dma_semaphore, #tpu.memory_space<semaphore_mem>>)
      %scan3A_648 = arith.constant 0 : i32
      scf.yield %scan3A_648 : i32
    }
    %scan3A_194 = arith.constant 65 : i32
    %add3A_195 = arith.constant 24960 : i32
    %add3A_196 = arith.addi %mul3A_2, %add3A_195 : i32
    %dma_wait3A_197 = arith.constant 0 : i32
    %dma_wait3A_198 = arith.constant 0 : i32
    %dma_wait3A_199 = tpu.memref_slice %arg4[%add3A_196, %dma_wait3A_198] : memref<819200x128xf32, #tpu.memory_space<hbm>> -> memref<128x128xf32, #tpu.memory_space<hbm>>
    %dma_wait3A_200 = arith.constant 0 : i32
    %dma_wait3A_201 = arith.constant 0 : i32
    %dma_wait3A_202 = tpu.memref_slice %arg7[%arg1, %dma_wait3A_197, %dma_wait3A_200, %dma_wait3A_201] : memref<16x3x128x128xf32, #tpu.memory_space<vmem_shared>> -> memref<1x1x128x128xf32, #tpu.memory_space<vmem_shared>>
    %dma_wait3A_203 = tpu.memref_squeeze %dma_wait3A_202 : memref<1x1x128x128xf32, #tpu.memory_space<vmem_shared>> -> memref<128x128xf32, #tpu.memory_space<vmem_shared>>
    tpu.wait_dma2 semaphore(%arg14 : memref<!tpu.dma_semaphore, #tpu.memory_space<semaphore_mem>>) src(%dma_wait3A_203 : memref<128x128xf32, #tpu.memory_space<vmem_shared>>) dst(%dma_wait3A_199 : memref<128x128xf32, #tpu.memory_space<hbm>>)
    %dma_wait3A_204 = arith.constant 0 : i32
    %dma_wait3A_205 = arith.constant 0 : i32
    %dma_wait3A_206 = arith.constant 0 : i32
    %dma_wait3A_207 = tpu.memref_slice %arg6[%dma_wait3A_204, %dma_wait3A_205, %dma_wait3A_206] : memref<3x128x128xf32, #tpu.memory_space<vmem>> -> memref<1x128x128xf32, #tpu.memory_space<vmem>>
    %dma_wait3A_208 = tpu.memref_squeeze %dma_wait3A_207 : memref<1x128x128xf32, #tpu.memory_space<vmem>> -> memref<128x128xf32, #tpu.memory_space<vmem>>
    %dma_wait3A_209 = arith.constant 25344 : i32
    %dma_wait3A_210 = tpu.memref_slice %arg5[%dma_wait3A_209] : memref<25600xi32, #tpu.memory_space<vmem>> -> memref<128xi32, #tpu.memory_space<vmem>>
    %dma_wait3A_211 = arith.constant 0 : i32
    %dma_wait3A_212 = arith.constant 0 : i32
    %dma_wait3A_213 = tpu.memref_slice %arg3[%dma_wait3A_211, %dma_wait3A_212] : memref<100000x128xf32, #tpu.memory_space<hbm>> -> memref<100000x128xf32, #tpu.memory_space<hbm>>
    tpu.wait_indirect_dma semaphore(%arg8 : memref<!tpu.dma_semaphore, #tpu.memory_space<semaphore_mem>>) src(%dma_wait3A_213 : memref<100000x128xf32, #tpu.memory_space<hbm>>) dst(%dma_wait3A_208 : memref<128x128xf32, #tpu.memory_space<vmem>>)
    %dma_start3A_214 = arith.constant 0 : i32
    %dma_start3A_215 = arith.constant 0 : i32
    %dma_start3A_216 = arith.constant 0 : i32
    %dma_start3A_217 = arith.constant 0 : i32
    %dma_start3A_218 = tpu.memref_slice %arg6[%dma_start3A_214, %dma_start3A_216, %dma_start3A_217] : memref<3x128x128xf32, #tpu.memory_space<vmem>> -> memref<1x128x128xf32, #tpu.memory_space<vmem>>
    %dma_start3A_219 = tpu.memref_squeeze %dma_start3A_218 : memref<1x128x128xf32, #tpu.memory_space<vmem>> -> memref<128x128xf32, #tpu.memory_space<vmem>>
    %dma_start3A_220 = arith.constant 0 : i32
    %dma_start3A_221 = arith.constant 0 : i32
    %dma_start3A_222 = tpu.memref_slice %arg7[%arg1, %dma_start3A_215, %dma_start3A_220, %dma_start3A_221] : memref<16x3x128x128xf32, #tpu.memory_space<vmem_shared>> -> memref<1x1x128x128xf32, #tpu.memory_space<vmem_shared>>
    %dma_start3A_223 = tpu.memref_squeeze %dma_start3A_222 : memref<1x1x128x128xf32, #tpu.memory_space<vmem_shared>> -> memref<128x128xf32, #tpu.memory_space<vmem_shared>>
    %dma_start3A_224 = arith.constant 0 : i32
    %dma_start3A_225 = arith.constant 0 : i32
    %dma_start3A_226 = tpu.memref_slice %arg7[%arg1, %dma_start3A_215, %dma_start3A_224, %dma_start3A_225] : memref<16x3x128x128xf32, #tpu.memory_space<vmem_shared>> -> memref<1x1x128x128xf32, #tpu.memory_space<vmem_shared>>
    %dma_start3A_227 = tpu.memref_squeeze %dma_start3A_226 : memref<1x1x128x128xf32, #tpu.memory_space<vmem_shared>> -> memref<128x128xf32, #tpu.memory_space<vmem_shared>>
    %dma_start3A_228 = arith.constant 0 : i32
    %dma_start3A_229 = arith.constant 0 : i32
    %dma_start3A_230 = tpu.memref_slice %arg6[%dma_start3A_214, %dma_start3A_228, %dma_start3A_229] : memref<3x128x128xf32, #tpu.memory_space<vmem>> -> memref<1x128x128xf32, #tpu.memory_space<vmem>>
    %dma_start3A_231 = tpu.memref_squeeze %dma_start3A_230 : memref<1x128x128xf32, #tpu.memory_space<vmem>> -> memref<128x128xf32, #tpu.memory_space<vmem>>
    tpu.enqueue_dma source(%dma_start3A_231 : memref<128x128xf32, #tpu.memory_space<vmem>>) target(%dma_start3A_227 : memref<128x128xf32, #tpu.memory_space<vmem_shared>>) target_semaphore(%arg11 : memref<!tpu.dma_semaphore, #tpu.memory_space<semaphore_mem>>)
    %dma_wait3A_232 = arith.constant 2 : i32
    %dma_wait3A_233 = arith.constant 2 : i32
    %dma_wait3A_234 = arith.constant 0 : i32
    %dma_wait3A_235 = arith.constant 0 : i32
    %dma_wait3A_236 = tpu.memref_slice %arg6[%dma_wait3A_232, %dma_wait3A_234, %dma_wait3A_235] : memref<3x128x128xf32, #tpu.memory_space<vmem>> -> memref<1x128x128xf32, #tpu.memory_space<vmem>>
    %dma_wait3A_237 = tpu.memref_squeeze %dma_wait3A_236 : memref<1x128x128xf32, #tpu.memory_space<vmem>> -> memref<128x128xf32, #tpu.memory_space<vmem>>
    %dma_wait3A_238 = arith.constant 0 : i32
    %dma_wait3A_239 = arith.constant 0 : i32
    %dma_wait3A_240 = tpu.memref_slice %arg7[%arg1, %dma_wait3A_233, %dma_wait3A_238, %dma_wait3A_239] : memref<16x3x128x128xf32, #tpu.memory_space<vmem_shared>> -> memref<1x1x128x128xf32, #tpu.memory_space<vmem_shared>>
    %dma_wait3A_241 = tpu.memref_squeeze %dma_wait3A_240 : memref<1x1x128x128xf32, #tpu.memory_space<vmem_shared>> -> memref<128x128xf32, #tpu.memory_space<vmem_shared>>
    %dma_wait3A_242 = arith.constant 0 : i32
    %dma_wait3A_243 = arith.constant 0 : i32
    %dma_wait3A_244 = tpu.memref_slice %arg7[%arg1, %dma_wait3A_233, %dma_wait3A_242, %dma_wait3A_243] : memref<16x3x128x128xf32, #tpu.memory_space<vmem_shared>> -> memref<1x1x128x128xf32, #tpu.memory_space<vmem_shared>>
    %dma_wait3A_245 = tpu.memref_squeeze %dma_wait3A_244 : memref<1x1x128x128xf32, #tpu.memory_space<vmem_shared>> -> memref<128x128xf32, #tpu.memory_space<vmem_shared>>
    %dma_wait3A_246 = arith.constant 0 : i32
    %dma_wait3A_247 = arith.constant 0 : i32
    %dma_wait3A_248 = tpu.memref_slice %arg6[%dma_wait3A_232, %dma_wait3A_246, %dma_wait3A_247] : memref<3x128x128xf32, #tpu.memory_space<vmem>> -> memref<1x128x128xf32, #tpu.memory_space<vmem>>
    %dma_wait3A_249 = tpu.memref_squeeze %dma_wait3A_248 : memref<1x128x128xf32, #tpu.memory_space<vmem>> -> memref<128x128xf32, #tpu.memory_space<vmem>>
    tpu.wait_dma2 semaphore(%arg13 : memref<!tpu.dma_semaphore, #tpu.memory_space<semaphore_mem>>) src(%dma_wait3A_249 : memref<128x128xf32, #tpu.memory_space<vmem>>) dst(%dma_wait3A_245 : memref<128x128xf32, #tpu.memory_space<vmem_shared>>)
    %add3A_250 = arith.constant 25216 : i32
    %add3A_251 = arith.addi %mul3A_2, %add3A_250 : i32
    %dma_start3A_252 = arith.constant 2 : i32
    %dma_start3A_253 = arith.constant 0 : i32
    %dma_start3A_254 = tpu.memref_slice %arg4[%add3A_251, %dma_start3A_253] : memref<819200x128xf32, #tpu.memory_space<hbm>> -> memref<128x128xf32, #tpu.memory_space<hbm>>
    %dma_start3A_255 = arith.constant 0 : i32
    %dma_start3A_256 = arith.constant 0 : i32
    %dma_start3A_257 = tpu.memref_slice %arg7[%arg1, %dma_start3A_252, %dma_start3A_255, %dma_start3A_256] : memref<16x3x128x128xf32, #tpu.memory_space<vmem_shared>> -> memref<1x1x128x128xf32, #tpu.memory_space<vmem_shared>>
    %dma_start3A_258 = tpu.memref_squeeze %dma_start3A_257 : memref<1x1x128x128xf32, #tpu.memory_space<vmem_shared>> -> memref<128x128xf32, #tpu.memory_space<vmem_shared>>
    tpu.enqueue_dma source(%dma_start3A_258 : memref<128x128xf32, #tpu.memory_space<vmem_shared>>) target(%dma_start3A_254 : memref<128x128xf32, #tpu.memory_space<hbm>>) target_semaphore(%arg16 : memref<!tpu.dma_semaphore, #tpu.memory_space<semaphore_mem>>)
    %add3A_259 = arith.constant 25088 : i32
    %add3A_260 = arith.addi %mul3A_2, %add3A_259 : i32
    %dma_wait3A_261 = arith.constant 1 : i32
    %dma_wait3A_262 = arith.constant 0 : i32
    %dma_wait3A_263 = tpu.memref_slice %arg4[%add3A_260, %dma_wait3A_262] : memref<819200x128xf32, #tpu.memory_space<hbm>> -> memref<128x128xf32, #tpu.memory_space<hbm>>
    %dma_wait3A_264 = arith.constant 0 : i32
    %dma_wait3A_265 = arith.constant 0 : i32
    %dma_wait3A_266 = tpu.memref_slice %arg7[%arg1, %dma_wait3A_261, %dma_wait3A_264, %dma_wait3A_265] : memref<16x3x128x128xf32, #tpu.memory_space<vmem_shared>> -> memref<1x1x128x128xf32, #tpu.memory_space<vmem_shared>>
    %dma_wait3A_267 = tpu.memref_squeeze %dma_wait3A_266 : memref<1x1x128x128xf32, #tpu.memory_space<vmem_shared>> -> memref<128x128xf32, #tpu.memory_space<vmem_shared>>
    tpu.wait_dma2 semaphore(%arg15 : memref<!tpu.dma_semaphore, #tpu.memory_space<semaphore_mem>>) src(%dma_wait3A_267 : memref<128x128xf32, #tpu.memory_space<vmem_shared>>) dst(%dma_wait3A_263 : memref<128x128xf32, #tpu.memory_space<hbm>>)
    %dma_wait3A_268 = arith.constant 1 : i32
    %dma_wait3A_269 = arith.constant 0 : i32
    %dma_wait3A_270 = arith.constant 0 : i32
    %dma_wait3A_271 = tpu.memref_slice %arg6[%dma_wait3A_268, %dma_wait3A_269, %dma_wait3A_270] : memref<3x128x128xf32, #tpu.memory_space<vmem>> -> memref<1x128x128xf32, #tpu.memory_space<vmem>>
    %dma_wait3A_272 = tpu.memref_squeeze %dma_wait3A_271 : memref<1x128x128xf32, #tpu.memory_space<vmem>> -> memref<128x128xf32, #tpu.memory_space<vmem>>
    %dma_wait3A_273 = arith.constant 25472 : i32
    %dma_wait3A_274 = tpu.memref_slice %arg5[%dma_wait3A_273] : memref<25600xi32, #tpu.memory_space<vmem>> -> memref<128xi32, #tpu.memory_space<vmem>>
    %dma_wait3A_275 = arith.constant 0 : i32
    %dma_wait3A_276 = arith.constant 0 : i32
    %dma_wait3A_277 = tpu.memref_slice %arg3[%dma_wait3A_275, %dma_wait3A_276] : memref<100000x128xf32, #tpu.memory_space<hbm>> -> memref<100000x128xf32, #tpu.memory_space<hbm>>
    tpu.wait_indirect_dma semaphore(%arg9 : memref<!tpu.dma_semaphore, #tpu.memory_space<semaphore_mem>>) src(%dma_wait3A_277 : memref<100000x128xf32, #tpu.memory_space<hbm>>) dst(%dma_wait3A_272 : memref<128x128xf32, #tpu.memory_space<vmem>>)
    %dma_start3A_278 = arith.constant 1 : i32
    %dma_start3A_279 = arith.constant 1 : i32
    %dma_start3A_280 = arith.constant 0 : i32
    %dma_start3A_281 = arith.constant 0 : i32
    %dma_start3A_282 = tpu.memref_slice %arg6[%dma_start3A_278, %dma_start3A_280, %dma_start3A_281] : memref<3x128x128xf32, #tpu.memory_space<vmem>> -> memref<1x128x128xf32, #tpu.memory_space<vmem>>
    %dma_start3A_283 = tpu.memref_squeeze %dma_start3A_282 : memref<1x128x128xf32, #tpu.memory_space<vmem>> -> memref<128x128xf32, #tpu.memory_space<vmem>>
    %dma_start3A_284 = arith.constant 0 : i32
    %dma_start3A_285 = arith.constant 0 : i32
    %dma_start3A_286 = tpu.memref_slice %arg7[%arg1, %dma_start3A_279, %dma_start3A_284, %dma_start3A_285] : memref<16x3x128x128xf32, #tpu.memory_space<vmem_shared>> -> memref<1x1x128x128xf32, #tpu.memory_space<vmem_shared>>
    %dma_start3A_287 = tpu.memref_squeeze %dma_start3A_286 : memref<1x1x128x128xf32, #tpu.memory_space<vmem_shared>> -> memref<128x128xf32, #tpu.memory_space<vmem_shared>>
    %dma_start3A_288 = arith.constant 0 : i32
    %dma_start3A_289 = arith.constant 0 : i32
    %dma_start3A_290 = tpu.memref_slice %arg7[%arg1, %dma_start3A_279, %dma_start3A_288, %dma_start3A_289] : memref<16x3x128x128xf32, #tpu.memory_space<vmem_shared>> -> memref<1x1x128x128xf32, #tpu.memory_space<vmem_shared>>
    %dma_start3A_291 = tpu.memref_squeeze %dma_start3A_290 : memref<1x1x128x128xf32, #tpu.memory_space<vmem_shared>> -> memref<128x128xf32, #tpu.memory_space<vmem_shared>>
    %dma_start3A_292 = arith.constant 0 : i32
    %dma_start3A_293 = arith.constant 0 : i32
    %dma_start3A_294 = tpu.memref_slice %arg6[%dma_start3A_278, %dma_start3A_292, %dma_start3A_293] : memref<3x128x128xf32, #tpu.memory_space<vmem>> -> memref<1x128x128xf32, #tpu.memory_space<vmem>>
    %dma_start3A_295 = tpu.memref_squeeze %dma_start3A_294 : memref<1x128x128xf32, #tpu.memory_space<vmem>> -> memref<128x128xf32, #tpu.memory_space<vmem>>
    tpu.enqueue_dma source(%dma_start3A_295 : memref<128x128xf32, #tpu.memory_space<vmem>>) target(%dma_start3A_291 : memref<128x128xf32, #tpu.memory_space<vmem_shared>>) target_semaphore(%arg12 : memref<!tpu.dma_semaphore, #tpu.memory_space<semaphore_mem>>)
    %dma_wait3A_296 = arith.constant 0 : i32
    %dma_wait3A_297 = arith.constant 0 : i32
    %dma_wait3A_298 = arith.constant 0 : i32
    %dma_wait3A_299 = arith.constant 0 : i32
    %dma_wait3A_300 = tpu.memref_slice %arg6[%dma_wait3A_296, %dma_wait3A_298, %dma_wait3A_299] : memref<3x128x128xf32, #tpu.memory_space<vmem>> -> memref<1x128x128xf32, #tpu.memory_space<vmem>>
    %dma_wait3A_301 = tpu.memref_squeeze %dma_wait3A_300 : memref<1x128x128xf32, #tpu.memory_space<vmem>> -> memref<128x128xf32, #tpu.memory_space<vmem>>
    %dma_wait3A_302 = arith.constant 0 : i32
    %dma_wait3A_303 = arith.constant 0 : i32
    %dma_wait3A_304 = tpu.memref_slice %arg7[%arg1, %dma_wait3A_297, %dma_wait3A_302, %dma_wait3A_303] : memref<16x3x128x128xf32, #tpu.memory_space<vmem_shared>> -> memref<1x1x128x128xf32, #tpu.memory_space<vmem_shared>>
    %dma_wait3A_305 = tpu.memref_squeeze %dma_wait3A_304 : memref<1x1x128x128xf32, #tpu.memory_space<vmem_shared>> -> memref<128x128xf32, #tpu.memory_space<vmem_shared>>
    %dma_wait3A_306 = arith.constant 0 : i32
    %dma_wait3A_307 = arith.constant 0 : i32
    %dma_wait3A_308 = tpu.memref_slice %arg7[%arg1, %dma_wait3A_297, %dma_wait3A_306, %dma_wait3A_307] : memref<16x3x128x128xf32, #tpu.memory_space<vmem_shared>> -> memref<1x1x128x128xf32, #tpu.memory_space<vmem_shared>>
    %dma_wait3A_309 = tpu.memref_squeeze %dma_wait3A_308 : memref<1x1x128x128xf32, #tpu.memory_space<vmem_shared>> -> memref<128x128xf32, #tpu.memory_space<vmem_shared>>
    %dma_wait3A_310 = arith.constant 0 : i32
    %dma_wait3A_311 = arith.constant 0 : i32
    %dma_wait3A_312 = tpu.memref_slice %arg6[%dma_wait3A_296, %dma_wait3A_310, %dma_wait3A_311] : memref<3x128x128xf32, #tpu.memory_space<vmem>> -> memref<1x128x128xf32, #tpu.memory_space<vmem>>
    %dma_wait3A_313 = tpu.memref_squeeze %dma_wait3A_312 : memref<1x128x128xf32, #tpu.memory_space<vmem>> -> memref<128x128xf32, #tpu.memory_space<vmem>>
    tpu.wait_dma2 semaphore(%arg11 : memref<!tpu.dma_semaphore, #tpu.memory_space<semaphore_mem>>) src(%dma_wait3A_313 : memref<128x128xf32, #tpu.memory_space<vmem>>) dst(%dma_wait3A_309 : memref<128x128xf32, #tpu.memory_space<vmem_shared>>)
    %add3A_314 = arith.constant 25344 : i32
    %add3A_315 = arith.addi %mul3A_2, %add3A_314 : i32
    %dma_start3A_316 = arith.constant 0 : i32
    %dma_start3A_317 = arith.constant 0 : i32
    %dma_start3A_318 = tpu.memref_slice %arg4[%add3A_315, %dma_start3A_317] : memref<819200x128xf32, #tpu.memory_space<hbm>> -> memref<128x128xf32, #tpu.memory_space<hbm>>
    %dma_start3A_319 = arith.constant 0 : i32
    %dma_start3A_320 = arith.constant 0 : i32
    %dma_start3A_321 = tpu.memref_slice %arg7[%arg1, %dma_start3A_316, %dma_start3A_319, %dma_start3A_320] : memref<16x3x128x128xf32, #tpu.memory_space<vmem_shared>> -> memref<1x1x128x128xf32, #tpu.memory_space<vmem_shared>>
    %dma_start3A_322 = tpu.memref_squeeze %dma_start3A_321 : memref<1x1x128x128xf32, #tpu.memory_space<vmem_shared>> -> memref<128x128xf32, #tpu.memory_space<vmem_shared>>
    tpu.enqueue_dma source(%dma_start3A_322 : memref<128x128xf32, #tpu.memory_space<vmem_shared>>) target(%dma_start3A_318 : memref<128x128xf32, #tpu.memory_space<hbm>>) target_semaphore(%arg14 : memref<!tpu.dma_semaphore, #tpu.memory_space<semaphore_mem>>)
    %dma_wait3A_323 = arith.constant 1 : i32
    %dma_wait3A_324 = arith.constant 1 : i32
    %dma_wait3A_325 = arith.constant 0 : i32
    %dma_wait3A_326 = arith.constant 0 : i32
    %dma_wait3A_327 = tpu.memref_slice %arg6[%dma_wait3A_323, %dma_wait3A_325, %dma_wait3A_326] : memref<3x128x128xf32, #tpu.memory_space<vmem>> -> memref<1x128x128xf32, #tpu.memory_space<vmem>>
    %dma_wait3A_328 = tpu.memref_squeeze %dma_wait3A_327 : memref<1x128x128xf32, #tpu.memory_space<vmem>> -> memref<128x128xf32, #tpu.memory_space<vmem>>
    %dma_wait3A_329 = arith.constant 0 : i32
    %dma_wait3A_330 = arith.constant 0 : i32
    %dma_wait3A_331 = tpu.memref_slice %arg7[%arg1, %dma_wait3A_324, %dma_wait3A_329, %dma_wait3A_330] : memref<16x3x128x128xf32, #tpu.memory_space<vmem_shared>> -> memref<1x1x128x128xf32, #tpu.memory_space<vmem_shared>>
    %dma_wait3A_332 = tpu.memref_squeeze %dma_wait3A_331 : memref<1x1x128x128xf32, #tpu.memory_space<vmem_shared>> -> memref<128x128xf32, #tpu.memory_space<vmem_shared>>
    %dma_wait3A_333 = arith.constant 0 : i32
    %dma_wait3A_334 = arith.constant 0 : i32
    %dma_wait3A_335 = tpu.memref_slice %arg7[%arg1, %dma_wait3A_324, %dma_wait3A_333, %dma_wait3A_334] : memref<16x3x128x128xf32, #tpu.memory_space<vmem_shared>> -> memref<1x1x128x128xf32, #tpu.memory_space<vmem_shared>>
    %dma_wait3A_336 = tpu.memref_squeeze %dma_wait3A_335 : memref<1x1x128x128xf32, #tpu.memory_space<vmem_shared>> -> memref<128x128xf32, #tpu.memory_space<vmem_shared>>
    %dma_wait3A_337 = arith.constant 0 : i32
    %dma_wait3A_338 = arith.constant 0 : i32
    %dma_wait3A_339 = tpu.memref_slice %arg6[%dma_wait3A_323, %dma_wait3A_337, %dma_wait3A_338] : memref<3x128x128xf32, #tpu.memory_space<vmem>> -> memref<1x128x128xf32, #tpu.memory_space<vmem>>
    %dma_wait3A_340 = tpu.memref_squeeze %dma_wait3A_339 : memref<1x128x128xf32, #tpu.memory_space<vmem>> -> memref<128x128xf32, #tpu.memory_space<vmem>>
    tpu.wait_dma2 semaphore(%arg12 : memref<!tpu.dma_semaphore, #tpu.memory_space<semaphore_mem>>) src(%dma_wait3A_340 : memref<128x128xf32, #tpu.memory_space<vmem>>) dst(%dma_wait3A_336 : memref<128x128xf32, #tpu.memory_space<vmem_shared>>)
    %add3A_341 = arith.constant 25472 : i32
    %add3A_342 = arith.addi %mul3A_2, %add3A_341 : i32
    %dma_start3A_343 = arith.constant 1 : i32
    %dma_start3A_344 = arith.constant 0 : i32
    %dma_start3A_345 = tpu.memref_slice %arg4[%add3A_342, %dma_start3A_344] : memref<819200x128xf32, #tpu.memory_space<hbm>> -> memref<128x128xf32, #tpu.memory_space<hbm>>
    %dma_start3A_346 = arith.constant 0 : i32
    %dma_start3A_347 = arith.constant 0 : i32
    %dma_start3A_348 = tpu.memref_slice %arg7[%arg1, %dma_start3A_343, %dma_start3A_346, %dma_start3A_347] : memref<16x3x128x128xf32, #tpu.memory_space<vmem_shared>> -> memref<1x1x128x128xf32, #tpu.memory_space<vmem_shared>>
    %dma_start3A_349 = tpu.memref_squeeze %dma_start3A_348 : memref<1x1x128x128xf32, #tpu.memory_space<vmem_shared>> -> memref<128x128xf32, #tpu.memory_space<vmem_shared>>
    tpu.enqueue_dma source(%dma_start3A_349 : memref<128x128xf32, #tpu.memory_space<vmem_shared>>) target(%dma_start3A_345 : memref<128x128xf32, #tpu.memory_space<hbm>>) target_semaphore(%arg15 : memref<!tpu.dma_semaphore, #tpu.memory_space<semaphore_mem>>)
    %add3A_350 = arith.constant 25216 : i32
    %add3A_351 = arith.addi %mul3A_2, %add3A_350 : i32
    %dma_wait3A_352 = arith.constant 2 : i32
    %dma_wait3A_353 = arith.constant 0 : i32
    %dma_wait3A_354 = tpu.memref_slice %arg4[%add3A_351, %dma_wait3A_353] : memref<819200x128xf32, #tpu.memory_space<hbm>> -> memref<128x128xf32, #tpu.memory_space<hbm>>
    %dma_wait3A_355 = arith.constant 0 : i32
    %dma_wait3A_356 = arith.constant 0 : i32
    %dma_wait3A_357 = tpu.memref_slice %arg7[%arg1, %dma_wait3A_352, %dma_wait3A_355, %dma_wait3A_356] : memref<16x3x128x128xf32, #tpu.memory_space<vmem_shared>> -> memref<1x1x128x128xf32, #tpu.memory_space<vmem_shared>>
    %dma_wait3A_358 = tpu.memref_squeeze %dma_wait3A_357 : memref<1x1x128x128xf32, #tpu.memory_space<vmem_shared>> -> memref<128x128xf32, #tpu.memory_space<vmem_shared>>
    tpu.wait_dma2 semaphore(%arg16 : memref<!tpu.dma_semaphore, #tpu.memory_space<semaphore_mem>>) src(%dma_wait3A_358 : memref<128x128xf32, #tpu.memory_space<vmem_shared>>) dst(%dma_wait3A_354 : memref<128x128xf32, #tpu.memory_space<hbm>>)
    %add3A_359 = arith.constant 25344 : i32
    %add3A_360 = arith.addi %mul3A_2, %add3A_359 : i32
    %dma_wait3A_361 = arith.constant 0 : i32
    %dma_wait3A_362 = arith.constant 0 : i32
    %dma_wait3A_363 = tpu.memref_slice %arg4[%add3A_360, %dma_wait3A_362] : memref<819200x128xf32, #tpu.memory_space<hbm>> -> memref<128x128xf32, #tpu.memory_space<hbm>>
    %dma_wait3A_364 = arith.constant 0 : i32
    %dma_wait3A_365 = arith.constant 0 : i32
    %dma_wait3A_366 = tpu.memref_slice %arg7[%arg1, %dma_wait3A_361, %dma_wait3A_364, %dma_wait3A_365] : memref<16x3x128x128xf32, #tpu.memory_space<vmem_shared>> -> memref<1x1x128x128xf32, #tpu.memory_space<vmem_shared>>
    %dma_wait3A_367 = tpu.memref_squeeze %dma_wait3A_366 : memref<1x1x128x128xf32, #tpu.memory_space<vmem_shared>> -> memref<128x128xf32, #tpu.memory_space<vmem_shared>>
    tpu.wait_dma2 semaphore(%arg14 : memref<!tpu.dma_semaphore, #tpu.memory_space<semaphore_mem>>) src(%dma_wait3A_367 : memref<128x128xf32, #tpu.memory_space<vmem_shared>>) dst(%dma_wait3A_363 : memref<128x128xf32, #tpu.memory_space<hbm>>)
    %add3A_368 = arith.constant 25472 : i32
    %add3A_369 = arith.addi %mul3A_2, %add3A_368 : i32
    %dma_wait3A_370 = arith.constant 1 : i32
    %dma_wait3A_371 = arith.constant 0 : i32
    %dma_wait3A_372 = tpu.memref_slice %arg4[%add3A_369, %dma_wait3A_371] : memref<819200x128xf32, #tpu.memory_space<hbm>> -> memref<128x128xf32, #tpu.memory_space<hbm>>
    %dma_wait3A_373 = arith.constant 0 : i32
    %dma_wait3A_374 = arith.constant 0 : i32
    %dma_wait3A_375 = tpu.memref_slice %arg7[%arg1, %dma_wait3A_370, %dma_wait3A_373, %dma_wait3A_374] : memref<16x3x128x128xf32, #tpu.memory_space<vmem_shared>> -> memref<1x1x128x128xf32, #tpu.memory_space<vmem_shared>>
    %dma_wait3A_376 = tpu.memref_squeeze %dma_wait3A_375 : memref<1x1x128x128xf32, #tpu.memory_space<vmem_shared>> -> memref<128x128xf32, #tpu.memory_space<vmem_shared>>
    tpu.wait_dma2 semaphore(%arg15 : memref<!tpu.dma_semaphore, #tpu.memory_space<semaphore_mem>>) src(%dma_wait3A_376 : memref<128x128xf32, #tpu.memory_space<vmem_shared>>) dst(%dma_wait3A_372 : memref<128x128xf32, #tpu.memory_space<hbm>>)
    return
  }
}

</mosaic_0001>

<sc_bundles>
// kernel: kernel.3.cloned.1.call-start
scs
__scs_entry_jumppad:
0x0: {  	(pc) =	sbr.rel $0x88, $3  }
0x1: {  	(tag) =	ssettag $0x0;
	lr =	simm.s32 $0x1  }
0x2: {  	[smem:$0x3F9F] =	sst lr;
	_ =	strace $0xD0000000  }
0x3: {  	_ = 	snop  }
0x4: {  	_ = 	snop  }
0x5: {  	_ = 	snop  }
0x6: {  	_ = 	snop  }
0x7: {  	_ = 	snop  }
__scs_overlays_trampoline_lowered:
0x8: {  	[smem:$0x3FAE] =	sst s0  }
0x9: {  	[smem:$0x3FAF] =	sst s1  }
0xa: {  	[smem:$0x3FB0] =	sst s2  }
0xb: {  	[smem:$0x3FB1] =	sst s3  }
0xc: {  	[smem:$0x3FB2] =	sst s4  }
0xd: {  	[smem:$0x3FB3] =	sst s5  }
0xe: {  	[smem:$0x3FB4] =	sst s6  }
0xf: {  	[smem:$0x3FB5] =	sst s7  }
0x10: {  	[smem:$0x3FB6] =	sst s8  }
0x11: {  	[smem:$0x3FB7] =	sst s9;
	s0 =	simm.s32 @!p0 $0x0  }
0x12: {  	s1 =	sld [smem:$0x3F9D];
	s0 =	simm.s32 @p0 $0x1  }
0x13: {  	[smem:$0x3FB8] =	sst s0;
	s0 =	simm.s32 @!p1 $0x0  }
0x14: {  	s2 =	sld [smem:$0x3F9C];
	s0 =	simm.s32 @p1 $0x1  }
0x15: {  	[smem:$0x3FB9] =	sst s0;
	s0 =	simm.s32 @!p2 $0x0  }
0x16: {  	s3 =	sld [smem:$0x3FDB];
	s0 =	simm.s32 @p2 $0x1  }
0x17: {  	s4 =	simm.s32 $0x1BF5;
	[smem:$0x3FBB] =	sst s0  }
0x18: {  	s0 =	sld [smem:$0x3F9E];
	_ =	swait.ge [sflag:s4], $0x0  }
0x19: {  	s7 =	sld [smem:$0x3F9F]  }
0x1a: {  	s8 =	sadd.s32 $0xFFFFE003, lr  }
0x1b: {  	s9 =	sadd.s32 $0xFFFFFEF7, lr;
	s5 =	simm.s32 $0xFFFFFFFF;
	p2 =	slt.u32 s8, $0xFFFFF086  }
0x1c: {  	p1 =	slt.u32 s9, $0xF7A;
	s5 =	simm.s32 @!p2 $0x0  }
0x1d: {  	s5 =	simm.s32 @p1 $0x1;
	p0 =	seq.s32 s7, s2  }
0x1e: {  	s7 =	smul.u32 @!p0 $0xF7A, s2;
	p2 =	seq.s32 @!p0 s5, $0x0  }
0x1f: {  	s9 =	smul.u32 $0xF7A, s1;
	s8 =	simm.s32 @!p0 $0x1BF5;
	p2 =	por !p2, p0  }
0x20: {  	[sflag:s8] =	ssyncset.s32 @!p0 $0xFFFFF086;
	s6 =	sadd.s32 @!p0 s3, s7;
	s7 =	simm.s32 @!p0 $0x108  }
0x21: {  	s3 =	sadd.s32 s3, s9;
	s6 =	sadd.s32 @!p0 $0x88, s6;
	s7 =	simm.s32 @p2 $0x1082  }
0x22: {  	[simem:s7], [sflag:s8] =	dma.local @!p0 [hbm:s6], $0xF7A  }
0x23: {  	s9 =	sor.u32 $0xD0000000, s2;
	s6 =	simm.s32 $0x108;
	_ =	swait.ge @!p0 [sflag:s8], $0x0  }
0x24: {  	s3 =	sadd.s32 $0x88, s3;
	s6 =	simm.s32 @!p1 $0x1082;
	[sflag:s4] =	ssyncset.s32 $0xFFFFF086  }
0x25: {  	[simem:s6], [sflag:s4] =	dma.local [hbm:s3], $0xF7A  }
0x26: {  	[smem:$0x3F9F] =	sst s1;
	(tag) =	ssettag s2;
	_ =	strace s9  }
0x27: {  	s1 =	sld [smem:$0x3FAF]  }
0x28: {  	s2 =	sld [smem:$0x3FB0]  }
0x29: {  	s4 =	sld [smem:$0x3FB2]  }
0x2a: {  	p0 =	seq.s32 s5, $0x0;
	s5 =	sld [smem:$0x3FB3]  }
0x2b: {  	s6 =	sld [smem:$0x3FB4]  }
0x2c: {  	s7 =	sld [smem:$0x3FB5]  }
0x2d: {  	s3 =	simm.s32 $0x108;
	s8 =	sld [smem:$0x3FB6]  }
0x2e: {  	s3 =	simm.s32 @!p0 $0x1082;
	s9 =	sld [smem:$0x3FB7]  }
0x2f: {  	lr =	sadd.s32 s0, s3;
	s0 =	sld [smem:$0x3FAE]  }
0x30: {  	s3 =	sld [smem:$0x3FB1]  }
0x31: {  	[smem:$0x3FBA] =	sst s10  }
0x32: {  	s10 =	sld [smem:$0x3FB8];
	_ =	sdelay $0x3  }
0x33: {  	p0 =	seq.s32 s10, $0x1;
	s10 =	sld [smem:$0x3FBA];
	_ =	sdelay $0x3  }
0x34: {  	[smem:$0x3FBA] =	sst s10  }
0x35: {  	s10 =	sld [smem:$0x3FB9];
	_ =	sdelay $0x3  }
0x36: {  	p1 =	seq.s32 s10, $0x1;
	s10 =	sld [smem:$0x3FBA];
	_ =	sdelay $0x3  }
0x37: {  	[smem:$0x3FBA] =	sst s10  }
0x38: {  	s10 =	sld [smem:$0x3FBB]  }
0x39: {  	_ = 	snop;
	(pc) =	sbr.ind lr, $3  }
0x3a: {  	_ = 	snop  }
0x3b: {  	_ = 	snop  }
0x3c: {  	p2 =	seq.s32 s10, $0x1;
	s10 =	sld [smem:$0x3FBA]  }
0x3d: {  	_ =	shalt  }
0x3e: {  	_ =	shalt  }
0x3f: {  	_ =	shalt  }
0x40: {  	_ =	shalt  }
0x41: {  	_ =	shalt  }
0x42: {  	_ =	shalt  }
0x43: {  	_ =	shalt  }
0x44: {  	_ =	shalt  }
0x45: {  	_ =	shalt  }
0x46: {  	_ =	shalt  }
0x47: {  	_ =	shalt  }
0x48: {  	_ =	shalt  }
0x49: {  	_ =	shalt  }
0x4a: {  	_ =	shalt  }
0x4b: {  	_ =	shalt  }
0x4c: {  	_ =	shalt  }
0x4d: {  	_ =	shalt  }
0x4e: {  	_ =	shalt  }
0x4f: {  	_ =	shalt  }
0x50: {  	_ =	shalt  }
0x51: {  	_ =	shalt  }
0x52: {  	_ =	shalt  }
0x53: {  	_ =	shalt  }
0x54: {  	_ =	shalt  }
0x55: {  	_ =	shalt  }
0x56: {  	_ =	shalt  }
0x57: {  	_ =	shalt  }
0x58: {  	_ =	shalt  }
0x59: {  	_ =	shalt  }
0x5a: {  	_ =	shalt  }
0x5b: {  	_ =	shalt  }
0x5c: {  	_ =	shalt  }
0x5d: {  	_ =	shalt  }
0x5e: {  	_ =	shalt  }
0x5f: {  	_ =	shalt  }
0x60: {  	_ =	shalt  }
0x61: {  	_ =	shalt  }
0x62: {  	_ =	shalt  }
0x63: {  	_ =	shalt  }
0x64: {  	_ =	shalt  }
0x65: {  	_ =	shalt  }
0x66: {  	_ =	shalt  }
0x67: {  	_ =	shalt  }
0x68: {  	_ =	shalt  }
0x69: {  	_ =	shalt  }
0x6a: {  	_ =	shalt  }
0x6b: {  	_ =	shalt  }
0x6c: {  	_ =	shalt  }
0x6d: {  	_ =	shalt  }
0x6e: {  	_ =	shalt  }
0x6f: {  	_ =	shalt  }
0x70: {  	_ =	shalt  }
0x71: {  	_ =	shalt  }
0x72: {  	_ =	shalt  }
0x73: {  	_ =	shalt  }
0x74: {  	_ =	shalt  }
0x75: {  	_ =	shalt  }
0x76: {  	_ =	shalt  }
0x77: {  	_ =	shalt  }
0x78: {  	_ =	shalt  }
0x79: {  	_ =	shalt  }
0x7a: {  	_ =	shalt  }
0x7b: {  	_ =	shalt  }
0x7c: {  	_ =	shalt  }
0x7d: {  	_ =	shalt  }
0x7e: {  	_ =	shalt  }
0x7f: {  	_ =	shalt  }
0x80: {  	_ =	shalt  }
0x81: {  	_ =	shalt  }
0x82: {  	_ =	shalt  }
0x83: {  	_ =	shalt  }
0x84: {  	_ =	shalt  }
0x85: {  	_ =	shalt  }
0x86: {  	_ =	shalt  }
0x87: {  	_ =	shalt  }
.Lfunc_end0:
.L_simem_size_0:
called_computation_lowered:
.L_overlay_start_0:
0x88: {  	s2 =	sld [smem:$0x3FD9]  }
0x89: {  	s3 =	sld [smem:$0x3FFE];
	_ =	sdelay $0x1  }
0x8a: {  	s1 =	srdreg.scid  }
0x8b: {  	s0 =	sand.u32 $0x1, s1  }
0x8c: {  	s17 =	sshll.u32 s0, $0xA;
	s2 =	sadd.s32 s3, s2  }
0x8d: {  	s2 =	sadd.s32 s2, s17  }
0x8e: {  	[smem:$0x3FC6] =	sst s2  }
0x8f: {  	_ = 	snop  }
0x90: {  	s2 =	sld [smem:$0x3FC8]  }
0x91: {  	s18 =	sld [smem:$0x3FD0];
	(tm) =	ssettm $0x1  }
0x92: {  	s4 =	sld [smem:$0x3FFB];
	_ =	sdelay $0x3  }
0x93: {  	_ =	strace s4  }
0x94: {  	s4 =	sld [smem:$0x3FFC];
	_ =	sdelay $0x3  }
0x95: {  	_ =	strace s4  }
0x96: {  	s4 =	sld [smem:$0x3FFD];
	_ =	sdelay $0x3  }
0x97: {  	_ =	strace s4  }
0x98: {  	_ =	strace $0x8FFFFFFF  }
0x99: {  	s19 =	sld [smem:$0x3FDB];
	_ =	sdelay $0x1  }
0x9a: {  	s5 =	simm.s32 $_scs_section_size  }
0x9b: {  	s6 =	simm.s32 $_size__tile_overlayer_lowered;
	s7 =	simm.s32 $_tile_overlayer_lowered  }
0x9c: {  	s22 =	simm.s32 $0x1BFF;
	s21 =	sshll.u32 s7, $0x1;
	s4 =	sadd.s32 s5, s19  }
0x9d: {  	s8 =	simm.s32 $0x0;
	s20 =	sshll.u32 s6, $0x1;
	s6 =	sadd.s32 s21, s4  }
0x9e: {  	[timem:s8], [sflag:s22] =	dma.local [hbm:s6], s20  }
0x9f: {  	_ =	swait.ge [sflag:s22], s20  }
0xa0: {  	s5 =	ssub.s32 $0x0, s20;
	[sflag:s22] =	ssyncset.done $0x0  }
0xa1: {  	[sflag:s22] =	ssyncadd.s32 s5;
	_ =	sdelay $0x1  }
0xa2: {  	s23 =	simm.s32 $0x1B8B  }
0xa3: {  	_ =	swait.ge [sflag:s23], $0x1  }
0xa4: {  	[sflag:s23] =	ssyncset.done $0x0  }
0xa5: {  	s25 =	simm.s32 $0x1B8E;
	s24 =	sld [smem:$0x3FFE];
	[sflag:s23] =	ssyncadd.s32 $0xFFFFFFFF  }
0xa6: {  	s26 =	simm.s32 $execute0_lowered;
	[smem:$0x3FD2] =	sst s25  }
0xa7: {  	s6 =	sshll.u32 s26, $0x1;
	_ =	strace $0x80000046;
	[dreg:$0x1] =	wrdreg $0xFFFFFFFF  }
0xa8: {  	s28 =	simm.s32 $_size_execute0_lowered;
	s4 =	sadd.s32 s4, s6;
	[dreg:$0x0] =	wrdreg $0x0  }
0xa9: {  	s6 =	sshll.u32 s28, $0x1;
	[dreg:$0x2] =	wrdreg s4  }
0xaa: {  	[dreg:$0x3] =	wrdreg s6  }
0xab: {  	[dreg:$0x4] =	wrdreg $0xC0  }
0xac: {  	_ =	task [dreg:s8], $0x5FFFF  }
0xad: {  	[dreg:$0x1] =	wrdreg $0xFFFFFFFF  }
0xae: {  	[dreg:$0x0] =	wrdreg $0x60  }
0xaf: {  	[dreg:$0x2] =	wrdreg s24  }
0xb0: {  	[dreg:$0x3] =	wrdreg s2  }
0xb1: {  	[dreg:$0x4] =	wrdreg s18  }
0xb2: {  	[dreg:$0x5] =	wrdreg $0x124000  }
0xb3: {  	[dreg:$0x6] =	wrdreg $0x9  }
0xb4: {  	_ =	task.clear_ibuf [dreg:s8], $0x7FFFF;
	_ =	strace $0x90000046  }
0xb5: {  	s29 =	simm.s32 $0x9;
	_ =	strace $0x80000048  }
0xb6: {  	_ =	swait.ge [sflag:s29], $0x1  }
0xb7: {  	[sflag:s29] =	ssyncadd.s32 $0xFFFFFFFF  }
0xb8: {  	_ =	strace $0x90000048  }
0xb9: {  	_ =	sfence  }
0xba: {  	s30 =	sld [smem:$0x0];
	_ =	sdelay $0x2  }
0xbb: {  	s31 =	sshll.u32 s1, $0xD;
	s1 =	sshrl.u32 s1, $0x2  }
0xbc: {  	s3 =	sand.u32 $0x4000, s31;
	s1 =	sadd.s32 s1, s30  }
0xbd: {  	s0 =	sor.u32 s3, s0;
	s1 =	sshll.u32 s1, $0x11  }
0xbe: {  	s0 =	sor.u32 s1, s0  }
0xbf: {  	s0 =	sadd.s32 $0x8F2B, s0  }
0xc0: {  	[sflag:s0] =	ssyncadd.remote.s32 $0x1  }
0xc1: {  	_ =	sfence.sel $0xFFFF  }
0xc2: {  	[dreg:$0x0] =	wrdreg $0xFFFFFFFF;
	(pc) =	sbr.abs _section_cstart, $3  }
0xc3: {  	[dreg:$0x1] =	wrdreg $0xFFFFFFFF  }
0xc4: {  	_ =	task.clear_ibuf [dreg:s8], $0x2FFFF;
	_ =	strace $0x9FFFFFFF  }
0xc5: {  	(tm) =	ssettm $0x7FFFFFFF  }
tec
execute0_lowered:
.L_overlay_start_1:
0x0: {  	(tag) =	ssettag $0x1  }
0x1: {  	s0 =	rddreg [dreg:$0x0]  }
0x2: {  	s1 =	rddreg [dreg:$0x1]  }
0x3: {  	s2 =	srdreg.scid;
	s5 =	rddreg [dreg:$0x2]  }
0x4: {  	s11 =	stileid.u32;
	s4 =	rddreg [dreg:$0x3]  }
0x5: {  	s7 =	simm.s32 $0x0;
	s16 =	simm.s32 $0x80;
	s17 =	simm.s32 $0x6400  }
0x6: {  	s28 =	simm.s32 $0x3;
	s29 =	simm.s32 $0x5;
	s31 =	simm.s32 $0x7  }
0x7: {  	s2 =	sand.u32 $0x1, s2;
	s3 =	sshll.u32 s11, $0x1;
	s18 =	smul.u32 $0x30000, s11  }
0x8: {  	[smem:$0x7FF] =	sst s7;
	s22 =	smul.u32 $0xC8000, s11;
	s30 =	sshll.u32 s11, $0x6  }
0x9: {  	s3 =	sor.u32 s2, s3;
	s19 =	ssub.s32 $0x2, s2;
	s2 =	smul.u32 $0x64000, s2  }
0xa: {  	_ =	strace $0x80000047;
	[dreg:$0xc] =	wrdreg s30;
	s6 =	smul.u32 $0x6400, s3  }
0xb: {  	s8 =	sshrl.u32 s19, $0x1;
	s7 =	sshrl.u32 s18, $0x2;
	s9 =	smul.u32 $0x64000, s3  }
0xc: {  	s3 =	smul.u32 $0x320000, s3;
	s18 =	simm.s32 $0xA400;
	s10 =	ssub.s32 s19, s8  }
0xd: {  	s4 =	sadd.s32 s7, s4;
	s19 =	simm.s32 $0x1;
	s6 =	sshrl.u32 s6, $0x3  }
0xe: {  	s20 =	sadd.s32 s5, s9;
	s8 =	sadd.s32 $0x8000, s4;
	s21 =	sshrl.u32 s3, $0x3  }
0xf: {  	s3 =	sadd.s32 s22, s5;
	s25 =	smax.u32 s10, $0x1;
	s0 =	sadd.s32 s6, s0  }
0x10: {  	s6 =	sadd.s32 $0x4000, s4;
	[dreg:$0x6] =	wrdreg s20;
	s7 =	sadd.s32 $0x800, s20  }
0x11: {  	[dreg:$0xb] =	wrdreg s25;
	s26 =	sadd.s32 s2, s3;
	s0 =	sadd.s32 $0x400, s0  }
0x12: {  	s25 =	sor.u32 $0x1C07, s30;
	[dreg:$0x5] =	wrdreg s0;
	s0 =	sadd.s32 s5, s21  }
0x13: {  	s2 =	simm.s32 $0x6;
	[dreg:$0x7] =	wrdreg s7;
	s23 =	sadd.s32 $0x62800, s0  }
0x14: {  	s20 =	simm.s32 $0x9;
	s24 =	sadd.s32 $0x63000, s0;
	[dreg:$0x8] =	wrdreg s23  }
0x15: {  	s14 =	sadd.s32 $0x2000, s26;
	s0 =	sadd.s32 $0x63800, s0;
	[dreg:$0x9] =	wrdreg s24  }
0x16: {  	s26 =	simm.s32 $0x0;
	s21 =	simm.s32 $0xE400;
	[dreg:$0xa] =	wrdreg s0  }
0x17: {  	s23 =	simm.s32 $0x2;
	s24 =	simm.s32 $0x4;
	s0 =	simm.s32 $0x8  }
.LBB2_1:
0x18: {  	s3 =	simm.s32 $0x0;
	s5 =	rddreg [dreg:$0x5];
	s7 =	simm.s32 $0xA  }
0x19: {  	[tilespmem:s3], [sflag:$0xA] =	stream.linear.gather [hbm4b:s5+s3], $0x6400, $0x38;
	[tilespmem:$0x1E400] =	vst v63  }
0x1a: {  	_ =	swait.ge [sflag:s7], $0x6400  }
0x1b: {  	[sflag:s7] =	ssyncset.done $0x0  }
0x1c: {  	[sflag:s7] =	ssyncadd.s32 $0xFFFF9C00  }
0x1d: {  	[tilespmem:s17], [sflag:$0x1] =	stream.indirect.gather [hbm4b:s1+s16], $0x80, s3, s16, $0xb8;
	[tilespmem:$0x1E400] =	vst v63  }
0x1e: {  	_ = 	snop  }
0x1f: {  	[tilespmem:s18], [sflag:$0x2] =	stream.indirect.gather [hbm4b:s1+s16], $0x80, s16, s16, $0xb8;
	[tilespmem:$0x1E400] =	vst v63  }
0x20: {  	_ =	swait.ge [sflag:s19], $0x4000  }
0x21: {  	[sflag:s19] =	ssyncset.done $0x0  }
0x22: {  	[sflag:s19] =	ssyncadd.s32 $0xFFFFC000  }
0x23: {  	[spmem:s4] =	stream.linear.scatter [tilespmem:s17], [sflag:$0x4], $0x4000, $0x38;
	[tilespmem:$0x1E400] =	vst v63  }
0x24: {  	s9 =	simm.s32 $0x100  }
0x25: {  	[tilespmem:s21], [sflag:$0x3] =	stream.indirect.gather [hbm4b:s1+s16], $0x80, s9, s16, $0xb8;
	[tilespmem:$0x1E400] =	vst v63  }
0x26: {  	_ =	swait.ge [sflag:s23], $0x4000  }
0x27: {  	[sflag:s23] =	ssyncset.done $0x0  }
0x28: {  	[sflag:s23] =	ssyncadd.s32 $0xFFFFC000  }
0x29: {  	[spmem:s6] =	stream.linear.scatter [tilespmem:s18], [sflag:$0x5], $0x4000, $0x38;
	[tilespmem:$0x1E400] =	vst v63  }
0x2a: {  	_ =	swait.ge [sflag:s24], $0x4000  }
0x2b: {  	s30 =	sshrl.u32 s4, $0x3;
	[sflag:s24] =	ssyncset.done $0x0  }
0x2c: {  	s11 =	simm.s32 $0x180;
	s10 =	rddreg [dreg:$0x6];
	[sflag:s24] =	ssyncadd.s32 $0xFFFFC000  }
0x2d: {  	[hbm:s10], [sflag:s25] =	dma.local [spmem:s30], $0x800  }
0x2e: {  	[tilespmem:s17], [sflag:$0x1] =	stream.indirect.gather [hbm4b:s1+s16], $0x80, s11, s16, $0xb8;
	[tilespmem:$0x1E400] =	vst v63  }
0x2f: {  	_ =	swait.ge [sflag:s28], $0x4000  }
0x30: {  	[sflag:s28] =	ssyncset.done $0x0  }
0x31: {  	[sflag:s28] =	ssyncadd.s32 $0xFFFFC000  }
0x32: {  	[spmem:s8] =	stream.linear.scatter [tilespmem:s21], [sflag:$0x6], $0x4000, $0x38;
	[tilespmem:$0x1E400] =	vst v63  }
0x33: {  	s12 =	simm.s32 $0x200;
	_ =	swait.ge [sflag:s29], $0x4000  }
0x34: {  	s5 =	sshrl.u32 s6, $0x3;
	[sflag:s29] =	ssyncset.done $0x0;
	s9 =	rddreg [dreg:$0xc]  }
0x35: {  	s7 =	rddreg [dreg:$0x7];
	[sflag:s29] =	ssyncadd.s32 $0xFFFFC000;
	s3 =	sor.u32 $0x1C08, s9  }
0x36: {  	[hbm:s7], [sflag:s3] =	dma.local [spmem:s5], $0x800  }
0x37: {  	[tilespmem:s18], [sflag:$0x2] =	stream.indirect.gather [hbm4b:s1+s16], $0x80, s12, s16, $0xb8;
	[tilespmem:$0x1E400] =	vst v63  }
0x38: {  	_ =	swait.ge [sflag:s31], $0x800  }
0x39: {  	[sflag:s31] =	ssyncset.done $0x0  }
0x3a: {  	[sflag:s31] =	ssyncadd.s32 $0xFFFFF800  }
0x3b: {  	_ =	swait.ge [sflag:s19], $0x4000  }
0x3c: {  	[sflag:s19] =	ssyncset.done $0x0  }
0x3d: {  	[sflag:s19] =	ssyncadd.s32 $0xFFFFC000  }
0x3e: {  	[spmem:s4] =	stream.linear.scatter [tilespmem:s17], [sflag:$0x4], $0x4000, $0x38;
	[tilespmem:$0x1E400] =	vst v63  }
0x3f: {  	_ =	swait.ge [sflag:s2], $0x4000  }
0x40: {  	s13 =	sadd.s32 $0xFFFFF000, s14;
	s10 =	sshrl.u32 s8, $0x3;
	[sflag:s2] =	ssyncset.done $0x0  }
0x41: {  	s11 =	simm.s32 $0x280;
	s9 =	sor.u32 $0x1C09, s9;
	[sflag:s2] =	ssyncadd.s32 $0xFFFFC000  }
0x42: {  	[hbm:s13], [sflag:s9] =	dma.local [spmem:s10], $0x800  }
0x43: {  	[tilespmem:s21], [sflag:$0x3] =	stream.indirect.gather [hbm4b:s1+s16], $0x80, s11, s16, $0xb8;
	[tilespmem:$0x1E400] =	vst v63  }
0x44: {  	_ =	swait.ge [sflag:s0], $0x800  }
0x45: {  	[sflag:s0] =	ssyncset.done $0x0  }
0x46: {  	[sflag:s0] =	ssyncadd.s32 $0xFFFFF800  }
0x47: {  	_ =	swait.ge [sflag:s23], $0x4000  }
0x48: {  	[sflag:s23] =	ssyncset.done $0x0  }
0x49: {  	[sflag:s23] =	ssyncadd.s32 $0xFFFFC000  }
0x4a: {  	[spmem:s6] =	stream.linear.scatter [tilespmem:s18], [sflag:$0x5], $0x4000, $0x38;
	[tilespmem:$0x1E400] =	vst v63  }
0x4b: {  	_ =	swait.ge [sflag:s24], $0x4000  }
0x4c: {  	[sflag:s24] =	ssyncset.done $0x0  }
0x4d: {  	s15 =	sadd.s32 $0xFFFFF800, s14;
	s22 =	simm.s32 $0x300;
	[sflag:s24] =	ssyncadd.s32 $0xFFFFC000  }
0x4e: {  	[hbm:s15], [sflag:s25] =	dma.local [spmem:s30], $0x800  }
0x4f: {  	[tilespmem:s17], [sflag:$0x1] =	stream.indirect.gather [hbm4b:s1+s16], $0x80, s22, s16, $0xb8;
	[tilespmem:$0x1E400] =	vst v63  }
0x50: {  	_ =	swait.ge [sflag:s20], $0x800  }
0x51: {  	[sflag:s20] =	ssyncset.done $0x0  }
0x52: {  	[sflag:s20] =	ssyncadd.s32 $0xFFFFF800  }
0x53: {  	_ =	swait.ge [sflag:s28], $0x4000  }
0x54: {  	[sflag:s28] =	ssyncset.done $0x0  }
0x55: {  	[sflag:s28] =	ssyncadd.s32 $0xFFFFC000  }
0x56: {  	[spmem:s8] =	stream.linear.scatter [tilespmem:s21], [sflag:$0x6], $0x4000, $0x38;
	[tilespmem:$0x1E400] =	vst v63  }
0x57: {  	_ =	swait.ge [sflag:s29], $0x4000  }
0x58: {  	s7 =	simm.s32 $0x600;
	[sflag:s29] =	ssyncset.done $0x0  }
0x59: {  	s13 =	simm.s32 $0x380;
	s11 =	sadd.s32 $0x1800, s14;
	[sflag:s29] =	ssyncadd.s32 $0xFFFFC000  }
0x5a: {  	[hbm:s14], [sflag:s3] =	dma.local [spmem:s5], $0x800  }
.LBB2_2:
0x5b: {  	[tilespmem:s18], [sflag:$0x2] =	stream.indirect.gather [hbm4b:s1+s16], $0x80, s13, s16, $0xb8;
	[tilespmem:$0x1E400] =	vst v63  }
0x5c: {  	p0 =	sne.s32 s7, $0x18000;
	s13 =	smov.u32 s7;
	s7 =	sadd.s32 $0x600, s7  }
0x5d: {  	s12 =	smov.u32 s11;
	_ =	swait.ge [sflag:s31], $0x800  }
0x5e: {  	[sflag:s31] =	ssyncset.done $0x0  }
0x5f: {  	[sflag:s31] =	ssyncadd.s32 $0xFFFFF800  }
0x60: {  	_ =	swait.ge [sflag:s19], $0x4000  }
0x61: {  	[sflag:s19] =	ssyncset.done $0x0  }
0x62: {  	[sflag:s19] =	ssyncadd.s32 $0xFFFFC000  }
0x63: {  	[spmem:s4] =	stream.linear.scatter [tilespmem:s17], [sflag:$0x4], $0x4000, $0x38;
	[tilespmem:$0x1E400] =	vst v63  }
0x64: {  	_ =	swait.ge [sflag:s2], $0x4000  }
0x65: {  	s13 =	sshra.s32 s13, $0x2;
	[sflag:s2] =	ssyncset.done $0x0  }
0x66: {  	s15 =	sadd.s32 $0xFFFFF000, s11;
	s22 =	sadd.s32 $0x280, s13;
	[sflag:s2] =	ssyncadd.s32 $0xFFFFC000  }
0x67: {  	[hbm:s15], [sflag:s9] =	dma.local [spmem:s10], $0x800  }
0x68: {  	[tilespmem:s21], [sflag:$0x3] =	stream.indirect.gather [hbm4b:s1+s16], $0x80, s22, s16, $0xb8;
	[tilespmem:$0x1E400] =	vst v63  }
0x69: {  	_ =	swait.ge [sflag:s0], $0x800  }
0x6a: {  	[sflag:s0] =	ssyncset.done $0x0  }
0x6b: {  	[sflag:s0] =	ssyncadd.s32 $0xFFFFF800  }
0x6c: {  	_ =	swait.ge [sflag:s23], $0x4000  }
0x6d: {  	[sflag:s23] =	ssyncset.done $0x0  }
0x6e: {  	[sflag:s23] =	ssyncadd.s32 $0xFFFFC000  }
0x6f: {  	[spmem:s6] =	stream.linear.scatter [tilespmem:s18], [sflag:$0x5], $0x4000, $0x38;
	[tilespmem:$0x1E400] =	vst v63  }
0x70: {  	_ =	swait.ge [sflag:s24], $0x4000  }
0x71: {  	[sflag:s24] =	ssyncset.done $0x0  }
0x72: {  	s15 =	sadd.s32 $0xFFFFF800, s11;
	s22 =	sadd.s32 $0x300, s13;
	[sflag:s24] =	ssyncadd.s32 $0xFFFFC000  }
0x73: {  	[hbm:s15], [sflag:s25] =	dma.local [spmem:s30], $0x800  }
0x74: {  	[tilespmem:s17], [sflag:$0x1] =	stream.indirect.gather [hbm4b:s1+s16], $0x80, s22, s16, $0xb8;
	[tilespmem:$0x1E400] =	vst v63  }
0x75: {  	_ =	swait.ge [sflag:s20], $0x800  }
0x76: {  	[sflag:s20] =	ssyncset.done $0x0  }
0x77: {  	[sflag:s20] =	ssyncadd.s32 $0xFFFFF800  }
0x78: {  	_ =	swait.ge [sflag:s28], $0x4000  }
0x79: {  	[sflag:s28] =	ssyncset.done $0x0  }
0x7a: {  	[sflag:s28] =	ssyncadd.s32 $0xFFFFC000  }
0x7b: {  	[spmem:s8] =	stream.linear.scatter [tilespmem:s21], [sflag:$0x6], $0x4000, $0x38;
	[tilespmem:$0x1E400] =	vst v63  }
.Ltmp0:
0x7c: {  	_ = 	snop;
	(pc) =	sbr.rel @p0 .LBB2_2-.Ltmp0, $4  }
0x7d: {  	_ =	swait.ge [sflag:s29], $0x4000  }
0x7e: {  	[sflag:s29] =	ssyncset.done $0x0  }
0x7f: {  	s11 =	sadd.s32 $0x1800, s11;
	s13 =	sadd.s32 $0x380, s13;
	[sflag:s29] =	ssyncadd.s32 $0xFFFFC000  }
0x80: {  	[hbm:s12], [sflag:s3] =	dma.local [spmem:s5], $0x800  }
0x81: {  	[tilespmem:s18], [sflag:$0x2] =	stream.indirect.gather [hbm4b:s1+s16], $0x80, s13, s16, $0xb8;
	[tilespmem:$0x1E400] =	vst v63  }
0x82: {  	_ =	swait.ge [sflag:s31], $0x800  }
0x83: {  	[sflag:s31] =	ssyncset.done $0x0  }
0x84: {  	[sflag:s31] =	ssyncadd.s32 $0xFFFFF800  }
0x85: {  	_ =	swait.ge [sflag:s19], $0x4000  }
0x86: {  	[sflag:s19] =	ssyncset.done $0x0  }
0x87: {  	[sflag:s19] =	ssyncadd.s32 $0xFFFFC000  }
0x88: {  	[spmem:s4] =	stream.linear.scatter [tilespmem:s17], [sflag:$0x4], $0x4000, $0x38;
	[tilespmem:$0x1E400] =	vst v63  }
0x89: {  	_ =	swait.ge [sflag:s2], $0x4000  }
0x8a: {  	[sflag:s2] =	ssyncset.done $0x0  }
0x8b: {  	s7 =	rddreg [dreg:$0x8];
	[sflag:s2] =	ssyncadd.s32 $0xFFFFC000  }
0x8c: {  	[hbm:s7], [sflag:s9] =	dma.local [spmem:s10], $0x800  }
0x8d: {  	_ =	swait.ge [sflag:s0], $0x800  }
0x8e: {  	[sflag:s0] =	ssyncset.done $0x0  }
0x8f: {  	[sflag:s0] =	ssyncadd.s32 $0xFFFFF800  }
0x90: {  	_ =	swait.ge [sflag:s23], $0x4000  }
0x91: {  	[sflag:s23] =	ssyncset.done $0x0  }
0x92: {  	[sflag:s23] =	ssyncadd.s32 $0xFFFFC000  }
0x93: {  	[spmem:s6] =	stream.linear.scatter [tilespmem:s18], [sflag:$0x5], $0x4000, $0x38;
	[tilespmem:$0x1E400] =	vst v63  }
0x94: {  	_ =	swait.ge [sflag:s24], $0x4000  }
0x95: {  	[sflag:s24] =	ssyncset.done $0x0  }
0x96: {  	s15 =	rddreg [dreg:$0x9];
	[sflag:s24] =	ssyncadd.s32 $0xFFFFC000  }
0x97: {  	[hbm:s15], [sflag:s25] =	dma.local [spmem:s30], $0x800  }
0x98: {  	_ =	swait.ge [sflag:s29], $0x4000  }
0x99: {  	[sflag:s29] =	ssyncset.done $0x0  }
0x9a: {  	s22 =	rddreg [dreg:$0xa];
	[sflag:s29] =	ssyncadd.s32 $0xFFFFC000  }
0x9b: {  	[hbm:s22], [sflag:s3] =	dma.local [spmem:s5], $0x800  }
0x9c: {  	_ =	swait.ge [sflag:s20], $0x800  }
0x9d: {  	[sflag:s20] =	ssyncset.done $0x0  }
0x9e: {  	[sflag:s20] =	ssyncadd.s32 $0xFFFFF800  }
0x9f: {  	_ =	swait.ge [sflag:s31], $0x800  }
0xa0: {  	[sflag:s31] =	ssyncset.done $0x0  }
0xa1: {  	[sflag:s31] =	ssyncadd.s32 $0xFFFFF800  }
0xa2: {  	_ =	swait.ge [sflag:s0], $0x800  }
0xa3: {  	s26 =	sadd.s32 $0x1, s26;
	s30 =	rddreg [dreg:$0xb]  }
0xa4: {  	p0 =	sne.s32 s26, s30  }
.Ltmp1:
0xa5: {  	_ = 	snop;
	(pc) =	sbr.rel @p0 .LBB2_1-.Ltmp1, $3  }
0xa6: {  	_ =	sdelay $0x1  }
0xa7: {  	[sflag:s0] =	ssyncset.done $0x0  }
0xa8: {  	[sflag:s0] =	ssyncadd.s32 $0xFFFFF800  }
0xa9: {  	_ =	sfence.sel $0x180000  }
0xaa: {  	[bflag:$0x0] =	sbarrier.arrive $0xFFFF  }
0xab: {  	_ =	strace $0x90000047  }
0xac: {  	s0 =	stileid.u32;
	[bflag:$0x2] =	sbarrier.arrive $0xFFFF  }
0xad: {  	p0 =	sne.s32 s0, $0x0;
	s0 =	rddreg [dreg:$0x4]  }
0xae: {  	s0 =	sadd.s32 @!p0 $0x100000, s0  }
0xaf: {  	[sflag:s0] =	ssyncadd.tile.s32 @!p0 $0x1;
	_ =	shalt  }
.Lfunc_end2:
_tile_overlayer_lowered:
.L_overlay_start_2:
0xb0: {  	(tag) =	ssettag $0x2  }
0xb1: {  	s0 =	rddreg [dreg:$0x0];
	s2 =	stileid.u32  }
0xb2: {  	s1 =	rddreg [dreg:$0x1];
	p0 =	sne.s32 s2, $0x0  }
0xb3: {  	s3 =	rddreg [dreg:$0x2];
	[bflag:$0x3] =	sbarrier.arrive $0xFFFF;
	s2 =	simm.s32 @!p0 $0x1C0A  }
0xb4: {  	[timem:s3], [sflag:s2] =	dma.local @!p0 [hbm:s0], s1  }
0xb5: {  	s0 =	simm.s32 @!p0 $0xA  }
0xb6: {  	_ =	swait.ge @!p0 [sflag:s0], s1  }
0xb7: {  	s1 =	ssub.s32 @!p0 $0x0, s1;
	[sflag:s0] =	ssyncset.done @!p0 $0x0  }
0xb8: {  	[sflag:s0] =	ssyncadd.s32 @!p0 s1  }
0xb9: {  	[bflag:$0x3] =	sbarrier.arrive $0xFFFF  }
0xba: {  	_ =	shalt  }

</sc_bundles>
